<compile_context>
chip_gen: v7x
topology: tpu7x:2x2x1
jax: 0.10.2.dev20260603
libtpu: 0.0.44.dev20260713+nightly
codegen_flags: <defaults>
</compile_context>

<pallas_src>
import functools

import jax
import jax.numpy as jnp
from jax import lax
from jax.experimental import pallas as pl
from jax.experimental.pallas import tpu as pltpu
from jax.experimental.pallas import tpu_sc as plsc

_B = 4
_S = 4096
_D = 768
_LANES = 16
_NC = 2
_NS = 16
_NW = _NC * _NS
_SPW = _S // _NW
_G = _SPW // _LANES


def _body(inputs_hbm, table_hbm, out_hbm, ibuf, msk, idx, tbuf, obuf,
          sem_t, sem_t2, sem_o):
    wid = lax.axis_index("s") * _NC + lax.axis_index("c")
    s0 = wid * _SPW

    half = _SPW // 2
    iot = lax.iota(jnp.int32, _LANES)
    for j in range(_SPW // _LANES):
        idx[pl.ds(j * _LANES, _LANES)] = iot + (s0 + 1 + j * _LANES)
    gA = pltpu.async_copy(table_hbm.at[idx.at[pl.ds(0, half)]],
                          tbuf.at[pl.ds(0, half)], sem_t)
    gB = pltpu.async_copy(table_hbm.at[idx.at[pl.ds(half, half)]],
                          tbuf.at[pl.ds(half, half)], sem_t2)
    pltpu.sync_copy(inputs_hbm.at[:, pl.ds(s0, _SPW)], ibuf)
    gA.wait()
    copies = [
        pltpu.async_copy(tbuf.at[pl.ds(0, half)],
                         out_hbm.at[b, pl.ds(s0, half)], sem_o)
        for b in range(_B)
    ]
    gB.wait()
    copies += [
        pltpu.async_copy(tbuf.at[pl.ds(half, half)],
                         out_hbm.at[b, pl.ds(s0 + half, half)], sem_o)
        for b in range(_B)
    ]
    for c in copies:
        c.wait()

    def fix_b(b, _):
        def fix_g(g, _):
            ivec = ibuf[b, pl.ds(g * _LANES, _LANES)]
            nz = jnp.sum(jnp.where(ivec == 0, 1, 0))

            @pl.when(nz > 0)
            def _fixup():
                msk[...] = jnp.where(ivec == 0, 0.0, 1.0)

                def fix_r(r, _):
                    m = plsc.load_gather(
                        msk, [jnp.full((_LANES,), 0, jnp.int32) + r])
                    row = g * _LANES + r
                    for j in range(_D // _LANES):
                        sl = pl.ds(j * _LANES, _LANES)
                        obuf[r, sl] = tbuf[row, sl] * m
                    return ()

                lax.fori_loop(0, _LANES, fix_r, ())
                pltpu.sync_copy(
                    obuf, out_hbm.at[b, pl.ds(s0 + g * _LANES, _LANES)])

            return ()

        lax.fori_loop(0, _G, fix_g, ())
        return ()

    lax.fori_loop(0, _B, fix_b, ())


_mesh = plsc.VectorSubcoreMesh(
    core_axis_name="c", subcore_axis_name="s",
    num_cores=_NC, num_subcores=_NS)

_emb = functools.partial(
    pl.kernel,
    out_type=jax.ShapeDtypeStruct((_B, _S, _D), jnp.float32),
    mesh=_mesh,
    scratch_types=[
        pltpu.VMEM((_B, _SPW), jnp.int32),
        pltpu.VMEM((_LANES,), jnp.float32),
        pltpu.VMEM((_SPW,), jnp.int32),
        pltpu.VMEM((_SPW, _D), jnp.float32),
        pltpu.VMEM((_LANES, _D), jnp.float32),
        pltpu.SemaphoreType.DMA,
        pltpu.SemaphoreType.DMA,
        pltpu.SemaphoreType.DMA,
    ],
    compiler_params=pltpu.CompilerParams(needs_layout_passes=False),
)(_body)


@jax.jit
def kernel(inputs, pos_weights):
    return _emb(inputs.astype(jnp.int32), pos_weights)

# --- scband reference (transcript-rebuilt; emitter-appended) ---
"""Pipeline reference for scband-position-embedding-layer-90391881712152 (READ-ONLY COPY).

The authoritative reference and input builder live on the scoring server;
editing this copy changes nothing except your own understanding.
"""

import jax, jax.numpy as jnp
import numpy as np

MAX_SEQ_LEN = 8192
HIDDEN_SIZE = 768
BATCH = 4
SEQ = 4096

def setup_inputs(seed: int = 0) -> dict:
    key = jax.random.key(seed)
    k1, k2 = jax.random.split(key)
    inputs = jax.random.randint(k1, (BATCH, SEQ), 0, 32000).astype(jnp.int64)
    # learned position embedding table, init normal(mean=0.0, stddev=0.02)
    pos_weights = (jax.random.normal(k2, (MAX_SEQ_LEN, HIDDEN_SIZE), dtype=jnp.float32) * 0.02)
    return {"inputs": inputs, "pos_weights": pos_weights}

def reference(inputs, pos_weights):
    B, S = inputs.shape
    start = 1
    # positions = tile(range(start, S+start), [B]) reshaped to [B, S]
    positions = jnp.tile(jnp.arange(start, S + start, dtype=jnp.int32), (B,)).reshape(B, S)
    position_mask = (inputs != 0).astype(jnp.int32)
    positions = positions * position_mask
    # EmbeddingLayer.call: mask where id != 0, lookup, apply mask (no scale)
    emb_mask = (positions != 0).astype(jnp.float32)
    embeddings = jnp.take(pos_weights, positions, axis=0)
    embeddings = embeddings * emb_mask[..., None]
    return embeddings

if __name__ == "__main__":
    import jax
    _d = setup_inputs()
    print(jax.jit(kernel)(*tuple(_d.values())))

</pallas_src>

<mosaic_0001>
#map = affine_map<(d0, d1) -> (0, 0)>
#map1 = affine_map<(d0, d1) -> (0, 0, 0)>
module attributes {stable_mosaic.version = 14 : i64} {
  func.func @_body(%arg0: i32, %arg1: i32, %arg2: memref<4x4096xi32, #tpu.memory_space<hbm>>, %arg3: memref<8192x768xf32, #tpu.memory_space<hbm>>, %arg4: memref<4x4096x768xf32, #tpu.memory_space<hbm>>, %arg5: memref<4x128xi32, #tpu.memory_space<vmem>>, %arg6: memref<16xf32, #tpu.memory_space<vmem>>, %arg7: memref<128xi32, #tpu.memory_space<vmem>>, %arg8: memref<128x768xf32, #tpu.memory_space<vmem>>, %arg9: memref<16x768xf32, #tpu.memory_space<vmem>>, %arg10: memref<!tpu.dma_semaphore, #tpu.memory_space<semaphore_mem>>, %arg11: memref<!tpu.dma_semaphore, #tpu.memory_space<semaphore_mem>>, %arg12: memref<!tpu.dma_semaphore, #tpu.memory_space<semaphore_mem>>) attributes {dimension_semantics = [#tpu.dimension_semantics<core_parallel>, #tpu.dimension_semantics<subcore_parallel>], iteration_bounds = array<i64: 2, 16>, scalar_prefetch = 0 : i64, scratch_operands = 8 : i64, tpu.core_type = #tpu.core_type<sc_vector_subcore>, window_params = [{transform_indices = #map}, {transform_indices = #map}, {transform_indices = #map1}]} {
    %mul3A = arith.constant 2 : i32
    %mul3A_0 = arith.muli %arg1, %mul3A : i32
    %add3A = arith.addi %mul3A_0, %arg0 : i32
    %mul3A_1 = arith.constant 128 : i32
    %mul3A_2 = arith.muli %add3A, %mul3A_1 : i32
    %iota3A = tpu.iota {dimensions = array<i32: 0>} : vector<16xi32>
    %add3A_3 = arith.constant 1 : i32
    %add3A_4 = arith.addi %mul3A_2, %add3A_3 : i32
    %add3A_5 = arith.constant 0 : i32
    %add3A_6 = arith.addi %add3A_4, %add3A_5 : i32
    %add3A_7 = vector.broadcast %add3A_6 : i32 to vector<16xi32>
    %add3A_8 = arith.addi %iota3A, %add3A_7 : vector<16xi32>
    %swap3A = arith.constant 0 : index
    %swap3A_9 = tpu.vector_load %arg7[%swap3A] {strides = array<i32>} : memref<128xi32, #tpu.memory_space<vmem>>, vector<16xi32>,
    tpu.vector_store %arg7[%swap3A], %add3A_8 {strides = array<i32>} : memref<128xi32, #tpu.memory_space<vmem>>, vector<16xi32>,
    %add3A_10 = arith.constant 1 : i32
    %add3A_11 = arith.addi %mul3A_2, %add3A_10 : i32
    %add3A_12 = arith.constant 16 : i32
    %add3A_13 = arith.addi %add3A_11, %add3A_12 : i32
    %add3A_14 = vector.broadcast %add3A_13 : i32 to vector<16xi32>
    %add3A_15 = arith.addi %iota3A, %add3A_14 : vector<16xi32>
    %swap3A_16 = arith.constant 16 : index
    %swap3A_17 = tpu.vector_load %arg7[%swap3A_16] {strides = array<i32>} : memref<128xi32, #tpu.memory_space<vmem>>, vector<16xi32>,
    tpu.vector_store %arg7[%swap3A_16], %add3A_15 {strides = array<i32>} : memref<128xi32, #tpu.memory_space<vmem>>, vector<16xi32>,
    %add3A_18 = arith.constant 1 : i32
    %add3A_19 = arith.addi %mul3A_2, %add3A_18 : i32
    %add3A_20 = arith.constant 32 : i32
    %add3A_21 = arith.addi %add3A_19, %add3A_20 : i32
    %add3A_22 = vector.broadcast %add3A_21 : i32 to vector<16xi32>
    %add3A_23 = arith.addi %iota3A, %add3A_22 : vector<16xi32>
    %swap3A_24 = arith.constant 32 : index
    %swap3A_25 = tpu.vector_load %arg7[%swap3A_24] {strides = array<i32>} : memref<128xi32, #tpu.memory_space<vmem>>, vector<16xi32>,
    tpu.vector_store %arg7[%swap3A_24], %add3A_23 {strides = array<i32>} : memref<128xi32, #tpu.memory_space<vmem>>, vector<16xi32>,
    %add3A_26 = arith.constant 1 : i32
    %add3A_27 = arith.addi %mul3A_2, %add3A_26 : i32
    %add3A_28 = arith.constant 48 : i32
    %add3A_29 = arith.addi %add3A_27, %add3A_28 : i32
    %add3A_30 = vector.broadcast %add3A_29 : i32 to vector<16xi32>
    %add3A_31 = arith.addi %iota3A, %add3A_30 : vector<16xi32>
    %swap3A_32 = arith.constant 48 : index
    %swap3A_33 = tpu.vector_load %arg7[%swap3A_32] {strides = array<i32>} : memref<128xi32, #tpu.memory_space<vmem>>, vector<16xi32>,
    tpu.vector_store %arg7[%swap3A_32], %add3A_31 {strides = array<i32>} : memref<128xi32, #tpu.memory_space<vmem>>, vector<16xi32>,
    %add3A_34 = arith.constant 1 : i32
    %add3A_35 = arith.addi %mul3A_2, %add3A_34 : i32
    %add3A_36 = arith.constant 64 : i32
    %add3A_37 = arith.addi %add3A_35, %add3A_36 : i32
    %add3A_38 = vector.broadcast %add3A_37 : i32 to vector<16xi32>
    %add3A_39 = arith.addi %iota3A, %add3A_38 : vector<16xi32>
    %swap3A_40 = arith.constant 64 : index
    %swap3A_41 = tpu.vector_load %arg7[%swap3A_40] {strides = array<i32>} : memref<128xi32, #tpu.memory_space<vmem>>, vector<16xi32>,
    tpu.vector_store %arg7[%swap3A_40], %add3A_39 {strides = array<i32>} : memref<128xi32, #tpu.memory_space<vmem>>, vector<16xi32>,
    %add3A_42 = arith.constant 1 : i32
    %add3A_43 = arith.addi %mul3A_2, %add3A_42 : i32
    %add3A_44 = arith.constant 80 : i32
    %add3A_45 = arith.addi %add3A_43, %add3A_44 : i32
    %add3A_46 = vector.broadcast %add3A_45 : i32 to vector<16xi32>
    %add3A_47 = arith.addi %iota3A, %add3A_46 : vector<16xi32>
    %swap3A_48 = arith.constant 80 : index
    %swap3A_49 = tpu.vector_load %arg7[%swap3A_48] {strides = array<i32>} : memref<128xi32, #tpu.memory_space<vmem>>, vector<16xi32>,
    tpu.vector_store %arg7[%swap3A_48], %add3A_47 {strides = array<i32>} : memref<128xi32, #tpu.memory_space<vmem>>, vector<16xi32>,
    %add3A_50 = arith.constant 1 : i32
    %add3A_51 = arith.addi %mul3A_2, %add3A_50 : i32
    %add3A_52 = arith.constant 96 : i32
    %add3A_53 = arith.addi %add3A_51, %add3A_52 : i32
    %add3A_54 = vector.broadcast %add3A_53 : i32 to vector<16xi32>
    %add3A_55 = arith.addi %iota3A, %add3A_54 : vector<16xi32>
    %swap3A_56 = arith.constant 96 : index
    %swap3A_57 = tpu.vector_load %arg7[%swap3A_56] {strides = array<i32>} : memref<128xi32, #tpu.memory_space<vmem>>, vector<16xi32>,
    tpu.vector_store %arg7[%swap3A_56], %add3A_55 {strides = array<i32>} : memref<128xi32, #tpu.memory_space<vmem>>, vector<16xi32>,
    %add3A_58 = arith.constant 1 : i32
    %add3A_59 = arith.addi %mul3A_2, %add3A_58 : i32
    %add3A_60 = arith.constant 112 : i32
    %add3A_61 = arith.addi %add3A_59, %add3A_60 : i32
    %add3A_62 = vector.broadcast %add3A_61 : i32 to vector<16xi32>
    %add3A_63 = arith.addi %iota3A, %add3A_62 : vector<16xi32>
    %swap3A_64 = arith.constant 112 : index
    %swap3A_65 = tpu.vector_load %arg7[%swap3A_64] {strides = array<i32>} : memref<128xi32, #tpu.memory_space<vmem>>, vector<16xi32>,
    tpu.vector_store %arg7[%swap3A_64], %add3A_63 {strides = array<i32>} : memref<128xi32, #tpu.memory_space<vmem>>, vector<16xi32>,
    %dma_start3A = arith.constant 0 : i32
    %dma_start3A_66 = arith.constant 0 : i32
    %dma_start3A_67 = tpu.memref_slice %arg8[%dma_start3A, %dma_start3A_66] : memref<128x768xf32, #tpu.memory_space<vmem>> -> memref<64x768xf32, #tpu.memory_space<vmem>>
    %dma_start3A_68 = arith.constant 0 : i32
    %dma_start3A_69 = tpu.memref_slice %arg7[%dma_start3A_68] : memref<128xi32, #tpu.memory_space<vmem>> -> memref<64xi32, #tpu.memory_space<vmem>>
    %dma_start3A_70 = arith.constant 0 : i32
    %dma_start3A_71 = arith.constant 0 : i32
    %dma_start3A_72 = tpu.memref_slice %arg3[%dma_start3A_70, %dma_start3A_71] : memref<8192x768xf32, #tpu.memory_space<hbm>> -> memref<8192x768xf32, #tpu.memory_space<hbm>>
    tpu.enqueue_indirect_dma source(%dma_start3A_72 : memref<8192x768xf32, #tpu.memory_space<hbm>>) target(%dma_start3A_67 : memref<64x768xf32, #tpu.memory_space<vmem>>) offsets(%dma_start3A_69 : memref<64xi32, #tpu.memory_space<vmem>>) semaphore(%arg10 : memref<!tpu.dma_semaphore, #tpu.memory_space<semaphore_mem>>)
    %dma_start3A_73 = arith.constant 64 : i32
    %dma_start3A_74 = arith.constant 0 : i32
    %dma_start3A_75 = tpu.memref_slice %arg8[%dma_start3A_73, %dma_start3A_74] : memref<128x768xf32, #tpu.memory_space<vmem>> -> memref<64x768xf32, #tpu.memory_space<vmem>>
    %dma_start3A_76 = arith.constant 64 : i32
    %dma_start3A_77 = tpu.memref_slice %arg7[%dma_start3A_76] : memref<128xi32, #tpu.memory_space<vmem>> -> memref<64xi32, #tpu.memory_space<vmem>>
    %dma_start3A_78 = arith.constant 0 : i32
    %dma_start3A_79 = arith.constant 0 : i32
    %dma_start3A_80 = tpu.memref_slice %arg3[%dma_start3A_78, %dma_start3A_79] : memref<8192x768xf32, #tpu.memory_space<hbm>> -> memref<8192x768xf32, #tpu.memory_space<hbm>>
    tpu.enqueue_indirect_dma source(%dma_start3A_80 : memref<8192x768xf32, #tpu.memory_space<hbm>>) target(%dma_start3A_75 : memref<64x768xf32, #tpu.memory_space<vmem>>) offsets(%dma_start3A_77 : memref<64xi32, #tpu.memory_space<vmem>>) semaphore(%arg11 : memref<!tpu.dma_semaphore, #tpu.memory_space<semaphore_mem>>)
    "tpu.region"() ({
      %run_scoped3A = tpu.sem_alloc : memref<!tpu.dma_semaphore, #tpu.memory_space<semaphore_mem>>
      %dma_start3A_316 = arith.constant 0 : i32
      %dma_start3A_317 = tpu.memref_slice %arg2[%dma_start3A_316, %mul3A_2] : memref<4x4096xi32, #tpu.memory_space<hbm>> -> memref<4x128xi32, #tpu.memory_space<hbm>>
      %dma_start3A_318 = arith.constant 0 : i32
      %dma_start3A_319 = tpu.memref_slice %arg2[%dma_start3A_318, %mul3A_2] : memref<4x4096xi32, #tpu.memory_space<hbm>> -> memref<4x128xi32, #tpu.memory_space<hbm>>
      tpu.enqueue_dma source(%dma_start3A_319 : memref<4x128xi32, #tpu.memory_space<hbm>>) target(%arg5 : memref<4x128xi32, #tpu.memory_space<vmem>>) target_semaphore(%run_scoped3A : memref<!tpu.dma_semaphore, #tpu.memory_space<semaphore_mem>>)
      %dma_wait3A_320 = arith.constant 0 : i32
      %dma_wait3A_321 = tpu.memref_slice %arg2[%dma_wait3A_320, %mul3A_2] : memref<4x4096xi32, #tpu.memory_space<hbm>> -> memref<4x128xi32, #tpu.memory_space<hbm>>
      %dma_wait3A_322 = arith.constant 0 : i32
      %dma_wait3A_323 = tpu.memref_slice %arg2[%dma_wait3A_322, %mul3A_2] : memref<4x4096xi32, #tpu.memory_space<hbm>> -> memref<4x128xi32, #tpu.memory_space<hbm>>
      tpu.wait_dma2 semaphore(%run_scoped3A : memref<!tpu.dma_semaphore, #tpu.memory_space<semaphore_mem>>) src(%dma_wait3A_323 : memref<4x128xi32, #tpu.memory_space<hbm>>) dst(%arg5 : memref<4x128xi32, #tpu.memory_space<vmem>>)
      tpu.yield
    }) : () -> ()
    %dma_wait3A = arith.constant 0 : i32
    %dma_wait3A_81 = arith.constant 0 : i32
    %dma_wait3A_82 = tpu.memref_slice %arg8[%dma_wait3A, %dma_wait3A_81] : memref<128x768xf32, #tpu.memory_space<vmem>> -> memref<64x768xf32, #tpu.memory_space<vmem>>
    %dma_wait3A_83 = arith.constant 0 : i32
    %dma_wait3A_84 = tpu.memref_slice %arg7[%dma_wait3A_83] : memref<128xi32, #tpu.memory_space<vmem>> -> memref<64xi32, #tpu.memory_space<vmem>>
    %dma_wait3A_85 = arith.constant 0 : i32
    %dma_wait3A_86 = arith.constant 0 : i32
    %dma_wait3A_87 = tpu.memref_slice %arg3[%dma_wait3A_85, %dma_wait3A_86] : memref<8192x768xf32, #tpu.memory_space<hbm>> -> memref<8192x768xf32, #tpu.memory_space<hbm>>
    tpu.wait_indirect_dma semaphore(%arg10 : memref<!tpu.dma_semaphore, #tpu.memory_space<semaphore_mem>>) src(%dma_wait3A_87 : memref<8192x768xf32, #tpu.memory_space<hbm>>) dst(%dma_wait3A_82 : memref<64x768xf32, #tpu.memory_space<vmem>>)
    %dma_start3A_88 = arith.constant 0 : i32
    %dma_start3A_89 = arith.constant 0 : i32
    %dma_start3A_90 = arith.constant 0 : i32
    %dma_start3A_91 = tpu.memref_slice %arg8[%dma_start3A_89, %dma_start3A_90] : memref<128x768xf32, #tpu.memory_space<vmem>> -> memref<64x768xf32, #tpu.memory_space<vmem>>
    %dma_start3A_92 = arith.constant 0 : i32
    %dma_start3A_93 = tpu.memref_slice %arg4[%dma_start3A_88, %mul3A_2, %dma_start3A_92] : memref<4x4096x768xf32, #tpu.memory_space<hbm>> -> memref<1x64x768xf32, #tpu.memory_space<hbm>>
    %dma_start3A_94 = tpu.memref_squeeze %dma_start3A_93 : memref<1x64x768xf32, #tpu.memory_space<hbm>> -> memref<64x768xf32, #tpu.memory_space<hbm>>
    %dma_start3A_95 = arith.constant 0 : i32
    %dma_start3A_96 = tpu.memref_slice %arg4[%dma_start3A_88, %mul3A_2, %dma_start3A_95] : memref<4x4096x768xf32, #tpu.memory_space<hbm>> -> memref<1x64x768xf32, #tpu.memory_space<hbm>>
    %dma_start3A_97 = tpu.memref_squeeze %dma_start3A_96 : memref<1x64x768xf32, #tpu.memory_space<hbm>> -> memref<64x768xf32, #tpu.memory_space<hbm>>
    %dma_start3A_98 = arith.constant 0 : i32
    %dma_start3A_99 = arith.constant 0 : i32
    %dma_start3A_100 = tpu.memref_slice %arg8[%dma_start3A_98, %dma_start3A_99] : memref<128x768xf32, #tpu.memory_space<vmem>> -> memref<64x768xf32, #tpu.memory_space<vmem>>
    tpu.enqueue_dma source(%dma_start3A_100 : memref<64x768xf32, #tpu.memory_space<vmem>>) target(%dma_start3A_97 : memref<64x768xf32, #tpu.memory_space<hbm>>) target_semaphore(%arg12 : memref<!tpu.dma_semaphore, #tpu.memory_space<semaphore_mem>>)
    %dma_start3A_101 = arith.constant 1 : i32
    %dma_start3A_102 = arith.constant 0 : i32
    %dma_start3A_103 = arith.constant 0 : i32
    %dma_start3A_104 = tpu.memref_slice %arg8[%dma_start3A_102, %dma_start3A_103] : memref<128x768xf32, #tpu.memory_space<vmem>> -> memref<64x768xf32, #tpu.memory_space<vmem>>
    %dma_start3A_105 = arith.constant 0 : i32
    %dma_start3A_106 = tpu.memref_slice %arg4[%dma_start3A_101, %mul3A_2, %dma_start3A_105] : memref<4x4096x768xf32, #tpu.memory_space<hbm>> -> memref<1x64x768xf32, #tpu.memory_space<hbm>>
    %dma_start3A_107 = tpu.memref_squeeze %dma_start3A_106 : memref<1x64x768xf32, #tpu.memory_space<hbm>> -> memref<64x768xf32, #tpu.memory_space<hbm>>
    %dma_start3A_108 = arith.constant 0 : i32
    %dma_start3A_109 = tpu.memref_slice %arg4[%dma_start3A_101, %mul3A_2, %dma_start3A_108] : memref<4x4096x768xf32, #tpu.memory_space<hbm>> -> memref<1x64x768xf32, #tpu.memory_space<hbm>>
    %dma_start3A_110 = tpu.memref_squeeze %dma_start3A_109 : memref<1x64x768xf32, #tpu.memory_space<hbm>> -> memref<64x768xf32, #tpu.memory_space<hbm>>
    %dma_start3A_111 = arith.constant 0 : i32
    %dma_start3A_112 = arith.constant 0 : i32
    %dma_start3A_113 = tpu.memref_slice %arg8[%dma_start3A_111, %dma_start3A_112] : memref<128x768xf32, #tpu.memory_space<vmem>> -> memref<64x768xf32, #tpu.memory_space<vmem>>
    tpu.enqueue_dma source(%dma_start3A_113 : memref<64x768xf32, #tpu.memory_space<vmem>>) target(%dma_start3A_110 : memref<64x768xf32, #tpu.memory_space<hbm>>) target_semaphore(%arg12 : memref<!tpu.dma_semaphore, #tpu.memory_space<semaphore_mem>>)
    %dma_start3A_114 = arith.constant 2 : i32
    %dma_start3A_115 = arith.constant 0 : i32
    %dma_start3A_116 = arith.constant 0 : i32
    %dma_start3A_117 = tpu.memref_slice %arg8[%dma_start3A_115, %dma_start3A_116] : memref<128x768xf32, #tpu.memory_space<vmem>> -> memref<64x768xf32, #tpu.memory_space<vmem>>
    %dma_start3A_118 = arith.constant 0 : i32
    %dma_start3A_119 = tpu.memref_slice %arg4[%dma_start3A_114, %mul3A_2, %dma_start3A_118] : memref<4x4096x768xf32, #tpu.memory_space<hbm>> -> memref<1x64x768xf32, #tpu.memory_space<hbm>>
    %dma_start3A_120 = tpu.memref_squeeze %dma_start3A_119 : memref<1x64x768xf32, #tpu.memory_space<hbm>> -> memref<64x768xf32, #tpu.memory_space<hbm>>
    %dma_start3A_121 = arith.constant 0 : i32
    %dma_start3A_122 = tpu.memref_slice %arg4[%dma_start3A_114, %mul3A_2, %dma_start3A_121] : memref<4x4096x768xf32, #tpu.memory_space<hbm>> -> memref<1x64x768xf32, #tpu.memory_space<hbm>>
    %dma_start3A_123 = tpu.memref_squeeze %dma_start3A_122 : memref<1x64x768xf32, #tpu.memory_space<hbm>> -> memref<64x768xf32, #tpu.memory_space<hbm>>
    %dma_start3A_124 = arith.constant 0 : i32
    %dma_start3A_125 = arith.constant 0 : i32
    %dma_start3A_126 = tpu.memref_slice %arg8[%dma_start3A_124, %dma_start3A_125] : memref<128x768xf32, #tpu.memory_space<vmem>> -> memref<64x768xf32, #tpu.memory_space<vmem>>
    tpu.enqueue_dma source(%dma_start3A_126 : memref<64x768xf32, #tpu.memory_space<vmem>>) target(%dma_start3A_123 : memref<64x768xf32, #tpu.memory_space<hbm>>) target_semaphore(%arg12 : memref<!tpu.dma_semaphore, #tpu.memory_space<semaphore_mem>>)
    %dma_start3A_127 = arith.constant 3 : i32
    %dma_start3A_128 = arith.constant 0 : i32
    %dma_start3A_129 = arith.constant 0 : i32
    %dma_start3A_130 = tpu.memref_slice %arg8[%dma_start3A_128, %dma_start3A_129] : memref<128x768xf32, #tpu.memory_space<vmem>> -> memref<64x768xf32, #tpu.memory_space<vmem>>
    %dma_start3A_131 = arith.constant 0 : i32
    %dma_start3A_132 = tpu.memref_slice %arg4[%dma_start3A_127, %mul3A_2, %dma_start3A_131] : memref<4x4096x768xf32, #tpu.memory_space<hbm>> -> memref<1x64x768xf32, #tpu.memory_space<hbm>>
    %dma_start3A_133 = tpu.memref_squeeze %dma_start3A_132 : memref<1x64x768xf32, #tpu.memory_space<hbm>> -> memref<64x768xf32, #tpu.memory_space<hbm>>
    %dma_start3A_134 = arith.constant 0 : i32
    %dma_start3A_135 = tpu.memref_slice %arg4[%dma_start3A_127, %mul3A_2, %dma_start3A_134] : memref<4x4096x768xf32, #tpu.memory_space<hbm>> -> memref<1x64x768xf32, #tpu.memory_space<hbm>>
    %dma_start3A_136 = tpu.memref_squeeze %dma_start3A_135 : memref<1x64x768xf32, #tpu.memory_space<hbm>> -> memref<64x768xf32, #tpu.memory_space<hbm>>
    %dma_start3A_137 = arith.constant 0 : i32
    %dma_start3A_138 = arith.constant 0 : i32
    %dma_start3A_139 = tpu.memref_slice %arg8[%dma_start3A_137, %dma_start3A_138] : memref<128x768xf32, #tpu.memory_space<vmem>> -> memref<64x768xf32, #tpu.memory_space<vmem>>
    tpu.enqueue_dma source(%dma_start3A_139 : memref<64x768xf32, #tpu.memory_space<vmem>>) target(%dma_start3A_136 : memref<64x768xf32, #tpu.memory_space<hbm>>) target_semaphore(%arg12 : memref<!tpu.dma_semaphore, #tpu.memory_space<semaphore_mem>>)
    %dma_wait3A_140 = arith.constant 64 : i32
    %dma_wait3A_141 = arith.constant 0 : i32
    %dma_wait3A_142 = tpu.memref_slice %arg8[%dma_wait3A_140, %dma_wait3A_141] : memref<128x768xf32, #tpu.memory_space<vmem>> -> memref<64x768xf32, #tpu.memory_space<vmem>>
    %dma_wait3A_143 = arith.constant 64 : i32
    %dma_wait3A_144 = tpu.memref_slice %arg7[%dma_wait3A_143] : memref<128xi32, #tpu.memory_space<vmem>> -> memref<64xi32, #tpu.memory_space<vmem>>
    %dma_wait3A_145 = arith.constant 0 : i32
    %dma_wait3A_146 = arith.constant 0 : i32
    %dma_wait3A_147 = tpu.memref_slice %arg3[%dma_wait3A_145, %dma_wait3A_146] : memref<8192x768xf32, #tpu.memory_space<hbm>> -> memref<8192x768xf32, #tpu.memory_space<hbm>>
    tpu.wait_indirect_dma semaphore(%arg11 : memref<!tpu.dma_semaphore, #tpu.memory_space<semaphore_mem>>) src(%dma_wait3A_147 : memref<8192x768xf32, #tpu.memory_space<hbm>>) dst(%dma_wait3A_142 : memref<64x768xf32, #tpu.memory_space<vmem>>)
    %add3A_148 = arith.constant 64 : i32
    %add3A_149 = arith.addi %mul3A_2, %add3A_148 : i32
    %dma_start3A_150 = arith.constant 0 : i32
    %dma_start3A_151 = arith.constant 64 : i32
    %dma_start3A_152 = arith.constant 0 : i32
    %dma_start3A_153 = tpu.memref_slice %arg8[%dma_start3A_151, %dma_start3A_152] : memref<128x768xf32, #tpu.memory_space<vmem>> -> memref<64x768xf32, #tpu.memory_space<vmem>>
    %dma_start3A_154 = arith.constant 0 : i32
    %dma_start3A_155 = tpu.memref_slice %arg4[%dma_start3A_150, %add3A_149, %dma_start3A_154] : memref<4x4096x768xf32, #tpu.memory_space<hbm>> -> memref<1x64x768xf32, #tpu.memory_space<hbm>>
    %dma_start3A_156 = tpu.memref_squeeze %dma_start3A_155 : memref<1x64x768xf32, #tpu.memory_space<hbm>> -> memref<64x768xf32, #tpu.memory_space<hbm>>
    %dma_start3A_157 = arith.constant 0 : i32
    %dma_start3A_158 = tpu.memref_slice %arg4[%dma_start3A_150, %add3A_149, %dma_start3A_157] : memref<4x4096x768xf32, #tpu.memory_space<hbm>> -> memref<1x64x768xf32, #tpu.memory_space<hbm>>
    %dma_start3A_159 = tpu.memref_squeeze %dma_start3A_158 : memref<1x64x768xf32, #tpu.memory_space<hbm>> -> memref<64x768xf32, #tpu.memory_space<hbm>>
    %dma_start3A_160 = arith.constant 64 : i32
    %dma_start3A_161 = arith.constant 0 : i32
    %dma_start3A_162 = tpu.memref_slice %arg8[%dma_start3A_160, %dma_start3A_161] : memref<128x768xf32, #tpu.memory_space<vmem>> -> memref<64x768xf32, #tpu.memory_space<vmem>>
    tpu.enqueue_dma source(%dma_start3A_162 : memref<64x768xf32, #tpu.memory_space<vmem>>) target(%dma_start3A_159 : memref<64x768xf32, #tpu.memory_space<hbm>>) target_semaphore(%arg12 : memref<!tpu.dma_semaphore, #tpu.memory_space<semaphore_mem>>)
    %add3A_163 = arith.constant 64 : i32
    %add3A_164 = arith.addi %mul3A_2, %add3A_163 : i32
    %dma_start3A_165 = arith.constant 1 : i32
    %dma_start3A_166 = arith.constant 64 : i32
    %dma_start3A_167 = arith.constant 0 : i32
    %dma_start3A_168 = tpu.memref_slice %arg8[%dma_start3A_166, %dma_start3A_167] : memref<128x768xf32, #tpu.memory_space<vmem>> -> memref<64x768xf32, #tpu.memory_space<vmem>>
    %dma_start3A_169 = arith.constant 0 : i32
    %dma_start3A_170 = tpu.memref_slice %arg4[%dma_start3A_165, %add3A_164, %dma_start3A_169] : memref<4x4096x768xf32, #tpu.memory_space<hbm>> -> memref<1x64x768xf32, #tpu.memory_space<hbm>>
    %dma_start3A_171 = tpu.memref_squeeze %dma_start3A_170 : memref<1x64x768xf32, #tpu.memory_space<hbm>> -> memref<64x768xf32, #tpu.memory_space<hbm>>
    %dma_start3A_172 = arith.constant 0 : i32
    %dma_start3A_173 = tpu.memref_slice %arg4[%dma_start3A_165, %add3A_164, %dma_start3A_172] : memref<4x4096x768xf32, #tpu.memory_space<hbm>> -> memref<1x64x768xf32, #tpu.memory_space<hbm>>
    %dma_start3A_174 = tpu.memref_squeeze %dma_start3A_173 : memref<1x64x768xf32, #tpu.memory_space<hbm>> -> memref<64x768xf32, #tpu.memory_space<hbm>>
    %dma_start3A_175 = arith.constant 64 : i32
    %dma_start3A_176 = arith.constant 0 : i32
    %dma_start3A_177 = tpu.memref_slice %arg8[%dma_start3A_175, %dma_start3A_176] : memref<128x768xf32, #tpu.memory_space<vmem>> -> memref<64x768xf32, #tpu.memory_space<vmem>>
    tpu.enqueue_dma source(%dma_start3A_177 : memref<64x768xf32, #tpu.memory_space<vmem>>) target(%dma_start3A_174 : memref<64x768xf32, #tpu.memory_space<hbm>>) target_semaphore(%arg12 : memref<!tpu.dma_semaphore, #tpu.memory_space<semaphore_mem>>)
    %add3A_178 = arith.constant 64 : i32
    %add3A_179 = arith.addi %mul3A_2, %add3A_178 : i32
    %dma_start3A_180 = arith.constant 2 : i32
    %dma_start3A_181 = arith.constant 64 : i32
    %dma_start3A_182 = arith.constant 0 : i32
    %dma_start3A_183 = tpu.memref_slice %arg8[%dma_start3A_181, %dma_start3A_182] : memref<128x768xf32, #tpu.memory_space<vmem>> -> memref<64x768xf32, #tpu.memory_space<vmem>>
    %dma_start3A_184 = arith.constant 0 : i32
    %dma_start3A_185 = tpu.memref_slice %arg4[%dma_start3A_180, %add3A_179, %dma_start3A_184] : memref<4x4096x768xf32, #tpu.memory_space<hbm>> -> memref<1x64x768xf32, #tpu.memory_space<hbm>>
    %dma_start3A_186 = tpu.memref_squeeze %dma_start3A_185 : memref<1x64x768xf32, #tpu.memory_space<hbm>> -> memref<64x768xf32, #tpu.memory_space<hbm>>
    %dma_start3A_187 = arith.constant 0 : i32
    %dma_start3A_188 = tpu.memref_slice %arg4[%dma_start3A_180, %add3A_179, %dma_start3A_187] : memref<4x4096x768xf32, #tpu.memory_space<hbm>> -> memref<1x64x768xf32, #tpu.memory_space<hbm>>
    %dma_start3A_189 = tpu.memref_squeeze %dma_start3A_188 : memref<1x64x768xf32, #tpu.memory_space<hbm>> -> memref<64x768xf32, #tpu.memory_space<hbm>>
    %dma_start3A_190 = arith.constant 64 : i32
    %dma_start3A_191 = arith.constant 0 : i32
    %dma_start3A_192 = tpu.memref_slice %arg8[%dma_start3A_190, %dma_start3A_191] : memref<128x768xf32, #tpu.memory_space<vmem>> -> memref<64x768xf32, #tpu.memory_space<vmem>>
    tpu.enqueue_dma source(%dma_start3A_192 : memref<64x768xf32, #tpu.memory_space<vmem>>) target(%dma_start3A_189 : memref<64x768xf32, #tpu.memory_space<hbm>>) target_semaphore(%arg12 : memref<!tpu.dma_semaphore, #tpu.memory_space<semaphore_mem>>)
    %add3A_193 = arith.constant 64 : i32
    %add3A_194 = arith.addi %mul3A_2, %add3A_193 : i32
    %dma_start3A_195 = arith.constant 3 : i32
    %dma_start3A_196 = arith.constant 64 : i32
    %dma_start3A_197 = arith.constant 0 : i32
    %dma_start3A_198 = tpu.memref_slice %arg8[%dma_start3A_196, %dma_start3A_197] : memref<128x768xf32, #tpu.memory_space<vmem>> -> memref<64x768xf32, #tpu.memory_space<vmem>>
    %dma_start3A_199 = arith.constant 0 : i32
    %dma_start3A_200 = tpu.memref_slice %arg4[%dma_start3A_195, %add3A_194, %dma_start3A_199] : memref<4x4096x768xf32, #tpu.memory_space<hbm>> -> memref<1x64x768xf32, #tpu.memory_space<hbm>>
    %dma_start3A_201 = tpu.memref_squeeze %dma_start3A_200 : memref<1x64x768xf32, #tpu.memory_space<hbm>> -> memref<64x768xf32, #tpu.memory_space<hbm>>
    %dma_start3A_202 = arith.constant 0 : i32
    %dma_start3A_203 = tpu.memref_slice %arg4[%dma_start3A_195, %add3A_194, %dma_start3A_202] : memref<4x4096x768xf32, #tpu.memory_space<hbm>> -> memref<1x64x768xf32, #tpu.memory_space<hbm>>
    %dma_start3A_204 = tpu.memref_squeeze %dma_start3A_203 : memref<1x64x768xf32, #tpu.memory_space<hbm>> -> memref<64x768xf32, #tpu.memory_space<hbm>>
    %dma_start3A_205 = arith.constant 64 : i32
    %dma_start3A_206 = arith.constant 0 : i32
    %dma_start3A_207 = tpu.memref_slice %arg8[%dma_start3A_205, %dma_start3A_206] : memref<128x768xf32, #tpu.memory_space<vmem>> -> memref<64x768xf32, #tpu.memory_space<vmem>>
    tpu.enqueue_dma source(%dma_start3A_207 : memref<64x768xf32, #tpu.memory_space<vmem>>) target(%dma_start3A_204 : memref<64x768xf32, #tpu.memory_space<hbm>>) target_semaphore(%arg12 : memref<!tpu.dma_semaphore, #tpu.memory_space<semaphore_mem>>)
    %dma_wait3A_208 = arith.constant 0 : i32
    %dma_wait3A_209 = arith.constant 0 : i32
    %dma_wait3A_210 = arith.constant 0 : i32
    %dma_wait3A_211 = tpu.memref_slice %arg8[%dma_wait3A_209, %dma_wait3A_210] : memref<128x768xf32, #tpu.memory_space<vmem>> -> memref<64x768xf32, #tpu.memory_space<vmem>>
    %dma_wait3A_212 = arith.constant 0 : i32
    %dma_wait3A_213 = tpu.memref_slice %arg4[%dma_wait3A_208, %mul3A_2, %dma_wait3A_212] : memref<4x4096x768xf32, #tpu.memory_space<hbm>> -> memref<1x64x768xf32, #tpu.memory_space<hbm>>
    %dma_wait3A_214 = tpu.memref_squeeze %dma_wait3A_213 : memref<1x64x768xf32, #tpu.memory_space<hbm>> -> memref<64x768xf32, #tpu.memory_space<hbm>>
    %dma_wait3A_215 = arith.constant 0 : i32
    %dma_wait3A_216 = tpu.memref_slice %arg4[%dma_wait3A_208, %mul3A_2, %dma_wait3A_215] : memref<4x4096x768xf32, #tpu.memory_space<hbm>> -> memref<1x64x768xf32, #tpu.memory_space<hbm>>
    %dma_wait3A_217 = tpu.memref_squeeze %dma_wait3A_216 : memref<1x64x768xf32, #tpu.memory_space<hbm>> -> memref<64x768xf32, #tpu.memory_space<hbm>>
    %dma_wait3A_218 = arith.constant 0 : i32
    %dma_wait3A_219 = arith.constant 0 : i32
    %dma_wait3A_220 = tpu.memref_slice %arg8[%dma_wait3A_218, %dma_wait3A_219] : memref<128x768xf32, #tpu.memory_space<vmem>> -> memref<64x768xf32, #tpu.memory_space<vmem>>
    tpu.wait_dma2 semaphore(%arg12 : memref<!tpu.dma_semaphore, #tpu.memory_space<semaphore_mem>>) src(%dma_wait3A_220 : memref<64x768xf32, #tpu.memory_space<vmem>>) dst(%dma_wait3A_217 : memref<64x768xf32, #tpu.memory_space<hbm>>)
    %dma_wait3A_221 = arith.constant 1 : i32
    %dma_wait3A_222 = arith.constant 0 : i32
    %dma_wait3A_223 = arith.constant 0 : i32
    %dma_wait3A_224 = tpu.memref_slice %arg8[%dma_wait3A_222, %dma_wait3A_223] : memref<128x768xf32, #tpu.memory_space<vmem>> -> memref<64x768xf32, #tpu.memory_space<vmem>>
    %dma_wait3A_225 = arith.constant 0 : i32
    %dma_wait3A_226 = tpu.memref_slice %arg4[%dma_wait3A_221, %mul3A_2, %dma_wait3A_225] : memref<4x4096x768xf32, #tpu.memory_space<hbm>> -> memref<1x64x768xf32, #tpu.memory_space<hbm>>
    %dma_wait3A_227 = tpu.memref_squeeze %dma_wait3A_226 : memref<1x64x768xf32, #tpu.memory_space<hbm>> -> memref<64x768xf32, #tpu.memory_space<hbm>>
    %dma_wait3A_228 = arith.constant 0 : i32
    %dma_wait3A_229 = tpu.memref_slice %arg4[%dma_wait3A_221, %mul3A_2, %dma_wait3A_228] : memref<4x4096x768xf32, #tpu.memory_space<hbm>> -> memref<1x64x768xf32, #tpu.memory_space<hbm>>
    %dma_wait3A_230 = tpu.memref_squeeze %dma_wait3A_229 : memref<1x64x768xf32, #tpu.memory_space<hbm>> -> memref<64x768xf32, #tpu.memory_space<hbm>>
    %dma_wait3A_231 = arith.constant 0 : i32
    %dma_wait3A_232 = arith.constant 0 : i32
    %dma_wait3A_233 = tpu.memref_slice %arg8[%dma_wait3A_231, %dma_wait3A_232] : memref<128x768xf32, #tpu.memory_space<vmem>> -> memref<64x768xf32, #tpu.memory_space<vmem>>
    tpu.wait_dma2 semaphore(%arg12 : memref<!tpu.dma_semaphore, #tpu.memory_space<semaphore_mem>>) src(%dma_wait3A_233 : memref<64x768xf32, #tpu.memory_space<vmem>>) dst(%dma_wait3A_230 : memref<64x768xf32, #tpu.memory_space<hbm>>)
    %dma_wait3A_234 = arith.constant 2 : i32
    %dma_wait3A_235 = arith.constant 0 : i32
    %dma_wait3A_236 = arith.constant 0 : i32
    %dma_wait3A_237 = tpu.memref_slice %arg8[%dma_wait3A_235, %dma_wait3A_236] : memref<128x768xf32, #tpu.memory_space<vmem>> -> memref<64x768xf32, #tpu.memory_space<vmem>>
    %dma_wait3A_238 = arith.constant 0 : i32
    %dma_wait3A_239 = tpu.memref_slice %arg4[%dma_wait3A_234, %mul3A_2, %dma_wait3A_238] : memref<4x4096x768xf32, #tpu.memory_space<hbm>> -> memref<1x64x768xf32, #tpu.memory_space<hbm>>
    %dma_wait3A_240 = tpu.memref_squeeze %dma_wait3A_239 : memref<1x64x768xf32, #tpu.memory_space<hbm>> -> memref<64x768xf32, #tpu.memory_space<hbm>>
    %dma_wait3A_241 = arith.constant 0 : i32
    %dma_wait3A_242 = tpu.memref_slice %arg4[%dma_wait3A_234, %mul3A_2, %dma_wait3A_241] : memref<4x4096x768xf32, #tpu.memory_space<hbm>> -> memref<1x64x768xf32, #tpu.memory_space<hbm>>
    %dma_wait3A_243 = tpu.memref_squeeze %dma_wait3A_242 : memref<1x64x768xf32, #tpu.memory_space<hbm>> -> memref<64x768xf32, #tpu.memory_space<hbm>>
    %dma_wait3A_244 = arith.constant 0 : i32
    %dma_wait3A_245 = arith.constant 0 : i32
    %dma_wait3A_246 = tpu.memref_slice %arg8[%dma_wait3A_244, %dma_wait3A_245] : memref<128x768xf32, #tpu.memory_space<vmem>> -> memref<64x768xf32, #tpu.memory_space<vmem>>
    tpu.wait_dma2 semaphore(%arg12 : memref<!tpu.dma_semaphore, #tpu.memory_space<semaphore_mem>>) src(%dma_wait3A_246 : memref<64x768xf32, #tpu.memory_space<vmem>>) dst(%dma_wait3A_243 : memref<64x768xf32, #tpu.memory_space<hbm>>)
    %dma_wait3A_247 = arith.constant 3 : i32
    %dma_wait3A_248 = arith.constant 0 : i32
    %dma_wait3A_249 = arith.constant 0 : i32
    %dma_wait3A_250 = tpu.memref_slice %arg8[%dma_wait3A_248, %dma_wait3A_249] : memref<128x768xf32, #tpu.memory_space<vmem>> -> memref<64x768xf32, #tpu.memory_space<vmem>>
    %dma_wait3A_251 = arith.constant 0 : i32
    %dma_wait3A_252 = tpu.memref_slice %arg4[%dma_wait3A_247, %mul3A_2, %dma_wait3A_251] : memref<4x4096x768xf32, #tpu.memory_space<hbm>> -> memref<1x64x768xf32, #tpu.memory_space<hbm>>
    %dma_wait3A_253 = tpu.memref_squeeze %dma_wait3A_252 : memref<1x64x768xf32, #tpu.memory_space<hbm>> -> memref<64x768xf32, #tpu.memory_space<hbm>>
    %dma_wait3A_254 = arith.constant 0 : i32
    %dma_wait3A_255 = tpu.memref_slice %arg4[%dma_wait3A_247, %mul3A_2, %dma_wait3A_254] : memref<4x4096x768xf32, #tpu.memory_space<hbm>> -> memref<1x64x768xf32, #tpu.memory_space<hbm>>
    %dma_wait3A_256 = tpu.memref_squeeze %dma_wait3A_255 : memref<1x64x768xf32, #tpu.memory_space<hbm>> -> memref<64x768xf32, #tpu.memory_space<hbm>>
    %dma_wait3A_257 = arith.constant 0 : i32
    %dma_wait3A_258 = arith.constant 0 : i32
    %dma_wait3A_259 = tpu.memref_slice %arg8[%dma_wait3A_257, %dma_wait3A_258] : memref<128x768xf32, #tpu.memory_space<vmem>> -> memref<64x768xf32, #tpu.memory_space<vmem>>
    tpu.wait_dma2 semaphore(%arg12 : memref<!tpu.dma_semaphore, #tpu.memory_space<semaphore_mem>>) src(%dma_wait3A_259 : memref<64x768xf32, #tpu.memory_space<vmem>>) dst(%dma_wait3A_256 : memref<64x768xf32, #tpu.memory_space<hbm>>)
    %dma_wait3A_260 = arith.constant 0 : i32
    %dma_wait3A_261 = arith.constant 64 : i32
    %dma_wait3A_262 = arith.constant 0 : i32
    %dma_wait3A_263 = tpu.memref_slice %arg8[%dma_wait3A_261, %dma_wait3A_262] : memref<128x768xf32, #tpu.memory_space<vmem>> -> memref<64x768xf32, #tpu.memory_space<vmem>>
    %dma_wait3A_264 = arith.constant 0 : i32
    %dma_wait3A_265 = tpu.memref_slice %arg4[%dma_wait3A_260, %add3A_149, %dma_wait3A_264] : memref<4x4096x768xf32, #tpu.memory_space<hbm>> -> memref<1x64x768xf32, #tpu.memory_space<hbm>>
    %dma_wait3A_266 = tpu.memref_squeeze %dma_wait3A_265 : memref<1x64x768xf32, #tpu.memory_space<hbm>> -> memref<64x768xf32, #tpu.memory_space<hbm>>
    %dma_wait3A_267 = arith.constant 0 : i32
    %dma_wait3A_268 = tpu.memref_slice %arg4[%dma_wait3A_260, %add3A_149, %dma_wait3A_267] : memref<4x4096x768xf32, #tpu.memory_space<hbm>> -> memref<1x64x768xf32, #tpu.memory_space<hbm>>
    %dma_wait3A_269 = tpu.memref_squeeze %dma_wait3A_268 : memref<1x64x768xf32, #tpu.memory_space<hbm>> -> memref<64x768xf32, #tpu.memory_space<hbm>>
    %dma_wait3A_270 = arith.constant 64 : i32
    %dma_wait3A_271 = arith.constant 0 : i32
    %dma_wait3A_272 = tpu.memref_slice %arg8[%dma_wait3A_270, %dma_wait3A_271] : memref<128x768xf32, #tpu.memory_space<vmem>> -> memref<64x768xf32, #tpu.memory_space<vmem>>
    tpu.wait_dma2 semaphore(%arg12 : memref<!tpu.dma_semaphore, #tpu.memory_space<semaphore_mem>>) src(%dma_wait3A_272 : memref<64x768xf32, #tpu.memory_space<vmem>>) dst(%dma_wait3A_269 : memref<64x768xf32, #tpu.memory_space<hbm>>)
    %dma_wait3A_273 = arith.constant 1 : i32
    %dma_wait3A_274 = arith.constant 64 : i32
    %dma_wait3A_275 = arith.constant 0 : i32
    %dma_wait3A_276 = tpu.memref_slice %arg8[%dma_wait3A_274, %dma_wait3A_275] : memref<128x768xf32, #tpu.memory_space<vmem>> -> memref<64x768xf32, #tpu.memory_space<vmem>>
    %dma_wait3A_277 = arith.constant 0 : i32
    %dma_wait3A_278 = tpu.memref_slice %arg4[%dma_wait3A_273, %add3A_164, %dma_wait3A_277] : memref<4x4096x768xf32, #tpu.memory_space<hbm>> -> memref<1x64x768xf32, #tpu.memory_space<hbm>>
    %dma_wait3A_279 = tpu.memref_squeeze %dma_wait3A_278 : memref<1x64x768xf32, #tpu.memory_space<hbm>> -> memref<64x768xf32, #tpu.memory_space<hbm>>
    %dma_wait3A_280 = arith.constant 0 : i32
    %dma_wait3A_281 = tpu.memref_slice %arg4[%dma_wait3A_273, %add3A_164, %dma_wait3A_280] : memref<4x4096x768xf32, #tpu.memory_space<hbm>> -> memref<1x64x768xf32, #tpu.memory_space<hbm>>
    %dma_wait3A_282 = tpu.memref_squeeze %dma_wait3A_281 : memref<1x64x768xf32, #tpu.memory_space<hbm>> -> memref<64x768xf32, #tpu.memory_space<hbm>>
    %dma_wait3A_283 = arith.constant 64 : i32
    %dma_wait3A_284 = arith.constant 0 : i32
    %dma_wait3A_285 = tpu.memref_slice %arg8[%dma_wait3A_283, %dma_wait3A_284] : memref<128x768xf32, #tpu.memory_space<vmem>> -> memref<64x768xf32, #tpu.memory_space<vmem>>
    tpu.wait_dma2 semaphore(%arg12 : memref<!tpu.dma_semaphore, #tpu.memory_space<semaphore_mem>>) src(%dma_wait3A_285 : memref<64x768xf32, #tpu.memory_space<vmem>>) dst(%dma_wait3A_282 : memref<64x768xf32, #tpu.memory_space<hbm>>)
    %dma_wait3A_286 = arith.constant 2 : i32
    %dma_wait3A_287 = arith.constant 64 : i32
    %dma_wait3A_288 = arith.constant 0 : i32
    %dma_wait3A_289 = tpu.memref_slice %arg8[%dma_wait3A_287, %dma_wait3A_288] : memref<128x768xf32, #tpu.memory_space<vmem>> -> memref<64x768xf32, #tpu.memory_space<vmem>>
    %dma_wait3A_290 = arith.constant 0 : i32
    %dma_wait3A_291 = tpu.memref_slice %arg4[%dma_wait3A_286, %add3A_179, %dma_wait3A_290] : memref<4x4096x768xf32, #tpu.memory_space<hbm>> -> memref<1x64x768xf32, #tpu.memory_space<hbm>>
    %dma_wait3A_292 = tpu.memref_squeeze %dma_wait3A_291 : memref<1x64x768xf32, #tpu.memory_space<hbm>> -> memref<64x768xf32, #tpu.memory_space<hbm>>
    %dma_wait3A_293 = arith.constant 0 : i32
    %dma_wait3A_294 = tpu.memref_slice %arg4[%dma_wait3A_286, %add3A_179, %dma_wait3A_293] : memref<4x4096x768xf32, #tpu.memory_space<hbm>> -> memref<1x64x768xf32, #tpu.memory_space<hbm>>
    %dma_wait3A_295 = tpu.memref_squeeze %dma_wait3A_294 : memref<1x64x768xf32, #tpu.memory_space<hbm>> -> memref<64x768xf32, #tpu.memory_space<hbm>>
    %dma_wait3A_296 = arith.constant 64 : i32
    %dma_wait3A_297 = arith.constant 0 : i32
    %dma_wait3A_298 = tpu.memref_slice %arg8[%dma_wait3A_296, %dma_wait3A_297] : memref<128x768xf32, #tpu.memory_space<vmem>> -> memref<64x768xf32, #tpu.memory_space<vmem>>
    tpu.wait_dma2 semaphore(%arg12 : memref<!tpu.dma_semaphore, #tpu.memory_space<semaphore_mem>>) src(%dma_wait3A_298 : memref<64x768xf32, #tpu.memory_space<vmem>>) dst(%dma_wait3A_295 : memref<64x768xf32, #tpu.memory_space<hbm>>)
    %dma_wait3A_299 = arith.constant 3 : i32
    %dma_wait3A_300 = arith.constant 64 : i32
    %dma_wait3A_301 = arith.constant 0 : i32
    %dma_wait3A_302 = tpu.memref_slice %arg8[%dma_wait3A_300, %dma_wait3A_301] : memref<128x768xf32, #tpu.memory_space<vmem>> -> memref<64x768xf32, #tpu.memory_space<vmem>>
    %dma_wait3A_303 = arith.constant 0 : i32
    %dma_wait3A_304 = tpu.memref_slice %arg4[%dma_wait3A_299, %add3A_194, %dma_wait3A_303] : memref<4x4096x768xf32, #tpu.memory_space<hbm>> -> memref<1x64x768xf32, #tpu.memory_space<hbm>>
    %dma_wait3A_305 = tpu.memref_squeeze %dma_wait3A_304 : memref<1x64x768xf32, #tpu.memory_space<hbm>> -> memref<64x768xf32, #tpu.memory_space<hbm>>
    %dma_wait3A_306 = arith.constant 0 : i32
    %dma_wait3A_307 = tpu.memref_slice %arg4[%dma_wait3A_299, %add3A_194, %dma_wait3A_306] : memref<4x4096x768xf32, #tpu.memory_space<hbm>> -> memref<1x64x768xf32, #tpu.memory_space<hbm>>
    %dma_wait3A_308 = tpu.memref_squeeze %dma_wait3A_307 : memref<1x64x768xf32, #tpu.memory_space<hbm>> -> memref<64x768xf32, #tpu.memory_space<hbm>>
    %dma_wait3A_309 = arith.constant 64 : i32
    %dma_wait3A_310 = arith.constant 0 : i32
    %dma_wait3A_311 = tpu.memref_slice %arg8[%dma_wait3A_309, %dma_wait3A_310] : memref<128x768xf32, #tpu.memory_space<vmem>> -> memref<64x768xf32, #tpu.memory_space<vmem>>
    tpu.wait_dma2 semaphore(%arg12 : memref<!tpu.dma_semaphore, #tpu.memory_space<semaphore_mem>>) src(%dma_wait3A_311 : memref<64x768xf32, #tpu.memory_space<vmem>>) dst(%dma_wait3A_308 : memref<64x768xf32, #tpu.memory_space<hbm>>)
    %scan3A = arith.constant 0 : i32
    %scan3A_312 = arith.constant 4 : i32
    %scan3A_313 = arith.addi %scan3A, %scan3A_312 : i32
    %scan3A_314 = arith.constant 1 : i32
    scf.for %scan3A_316 = %scan3A to %scan3A_313 step %scan3A_314  : i32 {
      %scan3A_317 = arith.constant 0 : i32
      %scan3A_318 = arith.constant 8 : i32
      %scan3A_319 = arith.addi %scan3A_317, %scan3A_318 : i32
      %scan3A_320 = arith.constant 1 : i32
      scf.for %scan3A_322 = %scan3A_317 to %scan3A_319 step %scan3A_320  : i32 {
        %mul3A_323 = arith.constant 16 : i32
        %mul3A_324 = arith.muli %scan3A_322, %mul3A_323 : i32
        %get3A = arith.index_cast %scan3A_316 : i32 to index
        %get3A_325 = arith.index_cast %mul3A_324 : i32 to index
        %get3A_326 = tpu.vector_load %arg5[%get3A, %get3A_325] {strides = array<i32>} : memref<4x128xi32, #tpu.memory_space<vmem>>, vector<16xi32>,
        %eq3A = arith.constant 0 : i32
        %eq3A_327 = vector.broadcast %eq3A : i32 to vector<16xi32>
        %eq3A_328 = arith.cmpi eq, %get3A_326, %eq3A_327 : vector<16xi32>
        %jit3A = arith.constant 1 : i32
        %jit3A_329 = arith.constant 0 : i32
        %broadcast_in_dim3A = vector.broadcast %jit3A : i32 to vector<16xi32>
        %broadcast_in_dim3A_330 = vector.broadcast %jit3A_329 : i32 to vector<16xi32>
        %select_n3A = arith.select %eq3A_328, %broadcast_in_dim3A, %broadcast_in_dim3A_330 : vector<16xi1>, vector<16xi32>
        %reduce_sum3A = arith.constant true
        %reduce_sum3A_331 = vector.broadcast %reduce_sum3A : i1 to vector<16xi1>
        %reduce_sum3A_332 = tpu.scan <sum>, %select_n3A masked %reduce_sum3A_331 : vector<16xi32>, vector<16xi1> -> vector<16xi32>
        %reduce_sum3A_333 = vector.extract %reduce_sum3A_332[15] : i32 from vector<16xi32>
        %gt3A = arith.constant 0 : i32
        %gt3A_334 = arith.cmpi sgt, %reduce_sum3A_333, %gt3A : i32
        %convert_element_type3A = arith.extui %gt3A_334 : i1 to i32
        %cond3A = arith.constant 0 : i32
        %cond3A_335 = arith.cmpi ne, %convert_element_type3A, %cond3A : i32
        scf.if %cond3A_335 {
          %eq3A_336 = arith.constant 0 : i32
          %eq3A_337 = vector.broadcast %eq3A_336 : i32 to vector<16xi32>
          %eq3A_338 = arith.cmpi eq, %get3A_326, %eq3A_337 : vector<16xi32>
          %jit3A_339 = arith.constant 0.000000e+00 : f32
          %jit3A_340 = arith.constant 1.000000e+00 : f32
          %broadcast_in_dim3A_341 = vector.broadcast %jit3A_339 : f32 to vector<16xf32>
          %broadcast_in_dim3A_342 = vector.broadcast %jit3A_340 : f32 to vector<16xf32>
          %select_n3A_343 = arith.select %eq3A_338, %broadcast_in_dim3A_341, %broadcast_in_dim3A_342 : vector<16xi1>, vector<16xf32>
          %swap3A_344 = arith.constant 0 : index
          %swap3A_345 = tpu.vector_load %arg6[%swap3A_344] {strides = array<i32>} : memref<16xf32, #tpu.memory_space<vmem>>, vector<16xf32>,
          tpu.vector_store %arg6[%swap3A_344], %select_n3A_343 {strides = array<i32>} : memref<16xf32, #tpu.memory_space<vmem>>, vector<16xf32>,
          %scan3A_346 = arith.constant 0 : i32
          %scan3A_347 = arith.constant 16 : i32
          %scan3A_348 = arith.addi %scan3A_346, %scan3A_347 : i32
          %scan3A_349 = arith.constant 1 : i32
          scf.for %scan3A_354 = %scan3A_346 to %scan3A_348 step %scan3A_349  : i32 {
            %broadcast_in_dim3A_355 = arith.constant 0 : i32
            %broadcast_in_dim3A_356 = vector.broadcast %broadcast_in_dim3A_355 : i32 to vector<16xi32>
            %add3A_357 = vector.broadcast %scan3A_354 : i32 to vector<16xi32>
            %add3A_358 = arith.addi %broadcast_in_dim3A_356, %add3A_357 : vector<16xi32>
            %gather3A = tpu.vector_load_idx %arg6[%add3A_358] : memref<16xf32, #tpu.memory_space<vmem>>[vector<16xi32>], vector<16xf32>,
            %mul3A_359 = arith.constant 16 : i32
            %mul3A_360 = arith.muli %scan3A_322, %mul3A_359 : i32
            %add3A_361 = arith.addi %mul3A_360, %scan3A_354 : i32
            %get3A_362 = arith.index_cast %add3A_361 : i32 to index
            %get3A_363 = arith.constant 0 : index
            %get3A_364 = tpu.vector_load %arg8[%get3A_362, %get3A_363] {strides = array<i32>} : memref<128x768xf32, #tpu.memory_space<vmem>>, vector<16xf32>,
            %mul3A_365 = arith.mulf %get3A_364, %gather3A : vector<16xf32>
            %swap3A_366 = arith.index_cast %scan3A_354 : i32 to index
            %swap3A_367 = arith.constant 0 : index
            %swap3A_368 = tpu.vector_load %arg9[%swap3A_366, %swap3A_367] {strides = array<i32>} : memref<16x768xf32, #tpu.memory_space<vmem>>, vector<16xf32>,
            tpu.vector_store %arg9[%swap3A_366, %swap3A_367], %mul3A_365 {strides = array<i32>} : memref<16x768xf32, #tpu.memory_space<vmem>>, vector<16xf32>,
            %get3A_369 = arith.index_cast %add3A_361 : i32 to index
            %get3A_370 = arith.constant 16 : index
            %get3A_371 = tpu.vector_load %arg8[%get3A_369, %get3A_370] {strides = array<i32>} : memref<128x768xf32, #tpu.memory_space<vmem>>, vector<16xf32>,
            %mul3A_372 = arith.mulf %get3A_371, %gather3A : vector<16xf32>
            %swap3A_373 = arith.index_cast %scan3A_354 : i32 to index
            %swap3A_374 = arith.constant 16 : index
            %swap3A_375 = tpu.vector_load %arg9[%swap3A_373, %swap3A_374] {strides = array<i32>} : memref<16x768xf32, #tpu.memory_space<vmem>>, vector<16xf32>,
            tpu.vector_store %arg9[%swap3A_373, %swap3A_374], %mul3A_372 {strides = array<i32>} : memref<16x768xf32, #tpu.memory_space<vmem>>, vector<16xf32>,
            %get3A_376 = arith.index_cast %add3A_361 : i32 to index
            %get3A_377 = arith.constant 32 : index
            %get3A_378 = tpu.vector_load %arg8[%get3A_376, %get3A_377] {strides = array<i32>} : memref<128x768xf32, #tpu.memory_space<vmem>>, vector<16xf32>,
            %mul3A_379 = arith.mulf %get3A_378, %gather3A : vector<16xf32>
            %swap3A_380 = arith.index_cast %scan3A_354 : i32 to index
            %swap3A_381 = arith.constant 32 : index
            %swap3A_382 = tpu.vector_load %arg9[%swap3A_380, %swap3A_381] {strides = array<i32>} : memref<16x768xf32, #tpu.memory_space<vmem>>, vector<16xf32>,
            tpu.vector_store %arg9[%swap3A_380, %swap3A_381], %mul3A_379 {strides = array<i32>} : memref<16x768xf32, #tpu.memory_space<vmem>>, vector<16xf32>,
            %get3A_383 = arith.index_cast %add3A_361 : i32 to index
            %get3A_384 = arith.constant 48 : index
            %get3A_385 = tpu.vector_load %arg8[%get3A_383, %get3A_384] {strides = array<i32>} : memref<128x768xf32, #tpu.memory_space<vmem>>, vector<16xf32>,
            %mul3A_386 = arith.mulf %get3A_385, %gather3A : vector<16xf32>
            %swap3A_387 = arith.index_cast %scan3A_354 : i32 to index
            %swap3A_388 = arith.constant 48 : index
            %swap3A_389 = tpu.vector_load %arg9[%swap3A_387, %swap3A_388] {strides = array<i32>} : memref<16x768xf32, #tpu.memory_space<vmem>>, vector<16xf32>,
            tpu.vector_store %arg9[%swap3A_387, %swap3A_388], %mul3A_386 {strides = array<i32>} : memref<16x768xf32, #tpu.memory_space<vmem>>, vector<16xf32>,
            %get3A_390 = arith.index_cast %add3A_361 : i32 to index
            %get3A_391 = arith.constant 64 : index
            %get3A_392 = tpu.vector_load %arg8[%get3A_390, %get3A_391] {strides = array<i32>} : memref<128x768xf32, #tpu.memory_space<vmem>>, vector<16xf32>,
            %mul3A_393 = arith.mulf %get3A_392, %gather3A : vector<16xf32>
            %swap3A_394 = arith.index_cast %scan3A_354 : i32 to index
            %swap3A_395 = arith.constant 64 : index
            %swap3A_396 = tpu.vector_load %arg9[%swap3A_394, %swap3A_395] {strides = array<i32>} : memref<16x768xf32, #tpu.memory_space<vmem>>, vector<16xf32>,
            tpu.vector_store %arg9[%swap3A_394, %swap3A_395], %mul3A_393 {strides = array<i32>} : memref<16x768xf32, #tpu.memory_space<vmem>>, vector<16xf32>,
            %get3A_397 = arith.index_cast %add3A_361 : i32 to index
            %get3A_398 = arith.constant 80 : index
            %get3A_399 = tpu.vector_load %arg8[%get3A_397, %get3A_398] {strides = array<i32>} : memref<128x768xf32, #tpu.memory_space<vmem>>, vector<16xf32>,
            %mul3A_400 = arith.mulf %get3A_399, %gather3A : vector<16xf32>
            %swap3A_401 = arith.index_cast %scan3A_354 : i32 to index
            %swap3A_402 = arith.constant 80 : index
            %swap3A_403 = tpu.vector_load %arg9[%swap3A_401, %swap3A_402] {strides = array<i32>} : memref<16x768xf32, #tpu.memory_space<vmem>>, vector<16xf32>,
            tpu.vector_store %arg9[%swap3A_401, %swap3A_402], %mul3A_400 {strides = array<i32>} : memref<16x768xf32, #tpu.memory_space<vmem>>, vector<16xf32>,
            %get3A_404 = arith.index_cast %add3A_361 : i32 to index
            %get3A_405 = arith.constant 96 : index
            %get3A_406 = tpu.vector_load %arg8[%get3A_404, %get3A_405] {strides = array<i32>} : memref<128x768xf32, #tpu.memory_space<vmem>>, vector<16xf32>,
            %mul3A_407 = arith.mulf %get3A_406, %gather3A : vector<16xf32>
            %swap3A_408 = arith.index_cast %scan3A_354 : i32 to index
            %swap3A_409 = arith.constant 96 : index
            %swap3A_410 = tpu.vector_load %arg9[%swap3A_408, %swap3A_409] {strides = array<i32>} : memref<16x768xf32, #tpu.memory_space<vmem>>, vector<16xf32>,
            tpu.vector_store %arg9[%swap3A_408, %swap3A_409], %mul3A_407 {strides = array<i32>} : memref<16x768xf32, #tpu.memory_space<vmem>>, vector<16xf32>,
            %get3A_411 = arith.index_cast %add3A_361 : i32 to index
            %get3A_412 = arith.constant 112 : index
            %get3A_413 = tpu.vector_load %arg8[%get3A_411, %get3A_412] {strides = array<i32>} : memref<128x768xf32, #tpu.memory_space<vmem>>, vector<16xf32>,
            %mul3A_414 = arith.mulf %get3A_413, %gather3A : vector<16xf32>
            %swap3A_415 = arith.index_cast %scan3A_354 : i32 to index
            %swap3A_416 = arith.constant 112 : index
            %swap3A_417 = tpu.vector_load %arg9[%swap3A_415, %swap3A_416] {strides = array<i32>} : memref<16x768xf32, #tpu.memory_space<vmem>>, vector<16xf32>,
            tpu.vector_store %arg9[%swap3A_415, %swap3A_416], %mul3A_414 {strides = array<i32>} : memref<16x768xf32, #tpu.memory_space<vmem>>, vector<16xf32>,
            %get3A_418 = arith.index_cast %add3A_361 : i32 to index
            %get3A_419 = arith.constant 128 : index
            %get3A_420 = tpu.vector_load %arg8[%get3A_418, %get3A_419] {strides = array<i32>} : memref<128x768xf32, #tpu.memory_space<vmem>>, vector<16xf32>,
            %mul3A_421 = arith.mulf %get3A_420, %gather3A : vector<16xf32>
            %swap3A_422 = arith.index_cast %scan3A_354 : i32 to index
            %swap3A_423 = arith.constant 128 : index
            %swap3A_424 = tpu.vector_load %arg9[%swap3A_422, %swap3A_423] {strides = array<i32>} : memref<16x768xf32, #tpu.memory_space<vmem>>, vector<16xf32>,
            tpu.vector_store %arg9[%swap3A_422, %swap3A_423], %mul3A_421 {strides = array<i32>} : memref<16x768xf32, #tpu.memory_space<vmem>>, vector<16xf32>,
            %get3A_425 = arith.index_cast %add3A_361 : i32 to index
            %get3A_426 = arith.constant 144 : index
            %get3A_427 = tpu.vector_load %arg8[%get3A_425, %get3A_426] {strides = array<i32>} : memref<128x768xf32, #tpu.memory_space<vmem>>, vector<16xf32>,
            %mul3A_428 = arith.mulf %get3A_427, %gather3A : vector<16xf32>
            %swap3A_429 = arith.index_cast %scan3A_354 : i32 to index
            %swap3A_430 = arith.constant 144 : index
            %swap3A_431 = tpu.vector_load %arg9[%swap3A_429, %swap3A_430] {strides = array<i32>} : memref<16x768xf32, #tpu.memory_space<vmem>>, vector<16xf32>,
            tpu.vector_store %arg9[%swap3A_429, %swap3A_430], %mul3A_428 {strides = array<i32>} : memref<16x768xf32, #tpu.memory_space<vmem>>, vector<16xf32>,
            %get3A_432 = arith.index_cast %add3A_361 : i32 to index
            %get3A_433 = arith.constant 160 : index
            %get3A_434 = tpu.vector_load %arg8[%get3A_432, %get3A_433] {strides = array<i32>} : memref<128x768xf32, #tpu.memory_space<vmem>>, vector<16xf32>,
            %mul3A_435 = arith.mulf %get3A_434, %gather3A : vector<16xf32>
            %swap3A_436 = arith.index_cast %scan3A_354 : i32 to index
            %swap3A_437 = arith.constant 160 : index
            %swap3A_438 = tpu.vector_load %arg9[%swap3A_436, %swap3A_437] {strides = array<i32>} : memref<16x768xf32, #tpu.memory_space<vmem>>, vector<16xf32>,
            tpu.vector_store %arg9[%swap3A_436, %swap3A_437], %mul3A_435 {strides = array<i32>} : memref<16x768xf32, #tpu.memory_space<vmem>>, vector<16xf32>,
            %get3A_439 = arith.index_cast %add3A_361 : i32 to index
            %get3A_440 = arith.constant 176 : index
            %get3A_441 = tpu.vector_load %arg8[%get3A_439, %get3A_440] {strides = array<i32>} : memref<128x768xf32, #tpu.memory_space<vmem>>, vector<16xf32>,
            %mul3A_442 = arith.mulf %get3A_441, %gather3A : vector<16xf32>
            %swap3A_443 = arith.index_cast %scan3A_354 : i32 to index
            %swap3A_444 = arith.constant 176 : index
            %swap3A_445 = tpu.vector_load %arg9[%swap3A_443, %swap3A_444] {strides = array<i32>} : memref<16x768xf32, #tpu.memory_space<vmem>>, vector<16xf32>,
            tpu.vector_store %arg9[%swap3A_443, %swap3A_444], %mul3A_442 {strides = array<i32>} : memref<16x768xf32, #tpu.memory_space<vmem>>, vector<16xf32>,
            %get3A_446 = arith.index_cast %add3A_361 : i32 to index
            %get3A_447 = arith.constant 192 : index
            %get3A_448 = tpu.vector_load %arg8[%get3A_446, %get3A_447] {strides = array<i32>} : memref<128x768xf32, #tpu.memory_space<vmem>>, vector<16xf32>,
            %mul3A_449 = arith.mulf %get3A_448, %gather3A : vector<16xf32>
            %swap3A_450 = arith.index_cast %scan3A_354 : i32 to index
            %swap3A_451 = arith.constant 192 : index
            %swap3A_452 = tpu.vector_load %arg9[%swap3A_450, %swap3A_451] {strides = array<i32>} : memref<16x768xf32, #tpu.memory_space<vmem>>, vector<16xf32>,
            tpu.vector_store %arg9[%swap3A_450, %swap3A_451], %mul3A_449 {strides = array<i32>} : memref<16x768xf32, #tpu.memory_space<vmem>>, vector<16xf32>,
            %get3A_453 = arith.index_cast %add3A_361 : i32 to index
            %get3A_454 = arith.constant 208 : index
            %get3A_455 = tpu.vector_load %arg8[%get3A_453, %get3A_454] {strides = array<i32>} : memref<128x768xf32, #tpu.memory_space<vmem>>, vector<16xf32>,
            %mul3A_456 = arith.mulf %get3A_455, %gather3A : vector<16xf32>
            %swap3A_457 = arith.index_cast %scan3A_354 : i32 to index
            %swap3A_458 = arith.constant 208 : index
            %swap3A_459 = tpu.vector_load %arg9[%swap3A_457, %swap3A_458] {strides = array<i32>} : memref<16x768xf32, #tpu.memory_space<vmem>>, vector<16xf32>,
            tpu.vector_store %arg9[%swap3A_457, %swap3A_458], %mul3A_456 {strides = array<i32>} : memref<16x768xf32, #tpu.memory_space<vmem>>, vector<16xf32>,
            %get3A_460 = arith.index_cast %add3A_361 : i32 to index
            %get3A_461 = arith.constant 224 : index
            %get3A_462 = tpu.vector_load %arg8[%get3A_460, %get3A_461] {strides = array<i32>} : memref<128x768xf32, #tpu.memory_space<vmem>>, vector<16xf32>,
            %mul3A_463 = arith.mulf %get3A_462, %gather3A : vector<16xf32>
            %swap3A_464 = arith.index_cast %scan3A_354 : i32 to index
            %swap3A_465 = arith.constant 224 : index
            %swap3A_466 = tpu.vector_load %arg9[%swap3A_464, %swap3A_465] {strides = array<i32>} : memref<16x768xf32, #tpu.memory_space<vmem>>, vector<16xf32>,
            tpu.vector_store %arg9[%swap3A_464, %swap3A_465], %mul3A_463 {strides = array<i32>} : memref<16x768xf32, #tpu.memory_space<vmem>>, vector<16xf32>,
            %get3A_467 = arith.index_cast %add3A_361 : i32 to index
            %get3A_468 = arith.constant 240 : index
            %get3A_469 = tpu.vector_load %arg8[%get3A_467, %get3A_468] {strides = array<i32>} : memref<128x768xf32, #tpu.memory_space<vmem>>, vector<16xf32>,
            %mul3A_470 = arith.mulf %get3A_469, %gather3A : vector<16xf32>
            %swap3A_471 = arith.index_cast %scan3A_354 : i32 to index
            %swap3A_472 = arith.constant 240 : index
            %swap3A_473 = tpu.vector_load %arg9[%swap3A_471, %swap3A_472] {strides = array<i32>} : memref<16x768xf32, #tpu.memory_space<vmem>>, vector<16xf32>,
            tpu.vector_store %arg9[%swap3A_471, %swap3A_472], %mul3A_470 {strides = array<i32>} : memref<16x768xf32, #tpu.memory_space<vmem>>, vector<16xf32>,
            %get3A_474 = arith.index_cast %add3A_361 : i32 to index
            %get3A_475 = arith.constant 256 : index
            %get3A_476 = tpu.vector_load %arg8[%get3A_474, %get3A_475] {strides = array<i32>} : memref<128x768xf32, #tpu.memory_space<vmem>>, vector<16xf32>,
            %mul3A_477 = arith.mulf %get3A_476, %gather3A : vector<16xf32>
            %swap3A_478 = arith.index_cast %scan3A_354 : i32 to index
            %swap3A_479 = arith.constant 256 : index
            %swap3A_480 = tpu.vector_load %arg9[%swap3A_478, %swap3A_479] {strides = array<i32>} : memref<16x768xf32, #tpu.memory_space<vmem>>, vector<16xf32>,
            tpu.vector_store %arg9[%swap3A_478, %swap3A_479], %mul3A_477 {strides = array<i32>} : memref<16x768xf32, #tpu.memory_space<vmem>>, vector<16xf32>,
            %get3A_481 = arith.index_cast %add3A_361 : i32 to index
            %get3A_482 = arith.constant 272 : index
            %get3A_483 = tpu.vector_load %arg8[%get3A_481, %get3A_482] {strides = array<i32>} : memref<128x768xf32, #tpu.memory_space<vmem>>, vector<16xf32>,
            %mul3A_484 = arith.mulf %get3A_483, %gather3A : vector<16xf32>
            %swap3A_485 = arith.index_cast %scan3A_354 : i32 to index
            %swap3A_486 = arith.constant 272 : index
            %swap3A_487 = tpu.vector_load %arg9[%swap3A_485, %swap3A_486] {strides = array<i32>} : memref<16x768xf32, #tpu.memory_space<vmem>>, vector<16xf32>,
            tpu.vector_store %arg9[%swap3A_485, %swap3A_486], %mul3A_484 {strides = array<i32>} : memref<16x768xf32, #tpu.memory_space<vmem>>, vector<16xf32>,
            %get3A_488 = arith.index_cast %add3A_361 : i32 to index
            %get3A_489 = arith.constant 288 : index
            %get3A_490 = tpu.vector_load %arg8[%get3A_488, %get3A_489] {strides = array<i32>} : memref<128x768xf32, #tpu.memory_space<vmem>>, vector<16xf32>,
            %mul3A_491 = arith.mulf %get3A_490, %gather3A : vector<16xf32>
            %swap3A_492 = arith.index_cast %scan3A_354 : i32 to index
            %swap3A_493 = arith.constant 288 : index
            %swap3A_494 = tpu.vector_load %arg9[%swap3A_492, %swap3A_493] {strides = array<i32>} : memref<16x768xf32, #tpu.memory_space<vmem>>, vector<16xf32>,
            tpu.vector_store %arg9[%swap3A_492, %swap3A_493], %mul3A_491 {strides = array<i32>} : memref<16x768xf32, #tpu.memory_space<vmem>>, vector<16xf32>,
            %get3A_495 = arith.index_cast %add3A_361 : i32 to index
            %get3A_496 = arith.constant 304 : index
            %get3A_497 = tpu.vector_load %arg8[%get3A_495, %get3A_496] {strides = array<i32>} : memref<128x768xf32, #tpu.memory_space<vmem>>, vector<16xf32>,
            %mul3A_498 = arith.mulf %get3A_497, %gather3A : vector<16xf32>
            %swap3A_499 = arith.index_cast %scan3A_354 : i32 to index
            %swap3A_500 = arith.constant 304 : index
            %swap3A_501 = tpu.vector_load %arg9[%swap3A_499, %swap3A_500] {strides = array<i32>} : memref<16x768xf32, #tpu.memory_space<vmem>>, vector<16xf32>,
            tpu.vector_store %arg9[%swap3A_499, %swap3A_500], %mul3A_498 {strides = array<i32>} : memref<16x768xf32, #tpu.memory_space<vmem>>, vector<16xf32>,
            %get3A_502 = arith.index_cast %add3A_361 : i32 to index
            %get3A_503 = arith.constant 320 : index
            %get3A_504 = tpu.vector_load %arg8[%get3A_502, %get3A_503] {strides = array<i32>} : memref<128x768xf32, #tpu.memory_space<vmem>>, vector<16xf32>,
            %mul3A_505 = arith.mulf %get3A_504, %gather3A : vector<16xf32>
            %swap3A_506 = arith.index_cast %scan3A_354 : i32 to index
            %swap3A_507 = arith.constant 320 : index
            %swap3A_508 = tpu.vector_load %arg9[%swap3A_506, %swap3A_507] {strides = array<i32>} : memref<16x768xf32, #tpu.memory_space<vmem>>, vector<16xf32>,
            tpu.vector_store %arg9[%swap3A_506, %swap3A_507], %mul3A_505 {strides = array<i32>} : memref<16x768xf32, #tpu.memory_space<vmem>>, vector<16xf32>,
            %get3A_509 = arith.index_cast %add3A_361 : i32 to index
            %get3A_510 = arith.constant 336 : index
            %get3A_511 = tpu.vector_load %arg8[%get3A_509, %get3A_510] {strides = array<i32>} : memref<128x768xf32, #tpu.memory_space<vmem>>, vector<16xf32>,
            %mul3A_512 = arith.mulf %get3A_511, %gather3A : vector<16xf32>
            %swap3A_513 = arith.index_cast %scan3A_354 : i32 to index
            %swap3A_514 = arith.constant 336 : index
            %swap3A_515 = tpu.vector_load %arg9[%swap3A_513, %swap3A_514] {strides = array<i32>} : memref<16x768xf32, #tpu.memory_space<vmem>>, vector<16xf32>,
            tpu.vector_store %arg9[%swap3A_513, %swap3A_514], %mul3A_512 {strides = array<i32>} : memref<16x768xf32, #tpu.memory_space<vmem>>, vector<16xf32>,
            %get3A_516 = arith.index_cast %add3A_361 : i32 to index
            %get3A_517 = arith.constant 352 : index
            %get3A_518 = tpu.vector_load %arg8[%get3A_516, %get3A_517] {strides = array<i32>} : memref<128x768xf32, #tpu.memory_space<vmem>>, vector<16xf32>,
            %mul3A_519 = arith.mulf %get3A_518, %gather3A : vector<16xf32>
            %swap3A_520 = arith.index_cast %scan3A_354 : i32 to index
            %swap3A_521 = arith.constant 352 : index
            %swap3A_522 = tpu.vector_load %arg9[%swap3A_520, %swap3A_521] {strides = array<i32>} : memref<16x768xf32, #tpu.memory_space<vmem>>, vector<16xf32>,
            tpu.vector_store %arg9[%swap3A_520, %swap3A_521], %mul3A_519 {strides = array<i32>} : memref<16x768xf32, #tpu.memory_space<vmem>>, vector<16xf32>,
            %get3A_523 = arith.index_cast %add3A_361 : i32 to index
            %get3A_524 = arith.constant 368 : index
            %get3A_525 = tpu.vector_load %arg8[%get3A_523, %get3A_524] {strides = array<i32>} : memref<128x768xf32, #tpu.memory_space<vmem>>, vector<16xf32>,
            %mul3A_526 = arith.mulf %get3A_525, %gather3A : vector<16xf32>
            %swap3A_527 = arith.index_cast %scan3A_354 : i32 to index
            %swap3A_528 = arith.constant 368 : index
            %swap3A_529 = tpu.vector_load %arg9[%swap3A_527, %swap3A_528] {strides = array<i32>} : memref<16x768xf32, #tpu.memory_space<vmem>>, vector<16xf32>,
            tpu.vector_store %arg9[%swap3A_527, %swap3A_528], %mul3A_526 {strides = array<i32>} : memref<16x768xf32, #tpu.memory_space<vmem>>, vector<16xf32>,
            %get3A_530 = arith.index_cast %add3A_361 : i32 to index
            %get3A_531 = arith.constant 384 : index
            %get3A_532 = tpu.vector_load %arg8[%get3A_530, %get3A_531] {strides = array<i32>} : memref<128x768xf32, #tpu.memory_space<vmem>>, vector<16xf32>,
            %mul3A_533 = arith.mulf %get3A_532, %gather3A : vector<16xf32>
            %swap3A_534 = arith.index_cast %scan3A_354 : i32 to index
            %swap3A_535 = arith.constant 384 : index
            %swap3A_536 = tpu.vector_load %arg9[%swap3A_534, %swap3A_535] {strides = array<i32>} : memref<16x768xf32, #tpu.memory_space<vmem>>, vector<16xf32>,
            tpu.vector_store %arg9[%swap3A_534, %swap3A_535], %mul3A_533 {strides = array<i32>} : memref<16x768xf32, #tpu.memory_space<vmem>>, vector<16xf32>,
            %get3A_537 = arith.index_cast %add3A_361 : i32 to index
            %get3A_538 = arith.constant 400 : index
            %get3A_539 = tpu.vector_load %arg8[%get3A_537, %get3A_538] {strides = array<i32>} : memref<128x768xf32, #tpu.memory_space<vmem>>, vector<16xf32>,
            %mul3A_540 = arith.mulf %get3A_539, %gather3A : vector<16xf32>
            %swap3A_541 = arith.index_cast %scan3A_354 : i32 to index
            %swap3A_542 = arith.constant 400 : index
            %swap3A_543 = tpu.vector_load %arg9[%swap3A_541, %swap3A_542] {strides = array<i32>} : memref<16x768xf32, #tpu.memory_space<vmem>>, vector<16xf32>,
            tpu.vector_store %arg9[%swap3A_541, %swap3A_542], %mul3A_540 {strides = array<i32>} : memref<16x768xf32, #tpu.memory_space<vmem>>, vector<16xf32>,
            %get3A_544 = arith.index_cast %add3A_361 : i32 to index
            %get3A_545 = arith.constant 416 : index
            %get3A_546 = tpu.vector_load %arg8[%get3A_544, %get3A_545] {strides = array<i32>} : memref<128x768xf32, #tpu.memory_space<vmem>>, vector<16xf32>,
            %mul3A_547 = arith.mulf %get3A_546, %gather3A : vector<16xf32>
            %swap3A_548 = arith.index_cast %scan3A_354 : i32 to index
            %swap3A_549 = arith.constant 416 : index
            %swap3A_550 = tpu.vector_load %arg9[%swap3A_548, %swap3A_549] {strides = array<i32>} : memref<16x768xf32, #tpu.memory_space<vmem>>, vector<16xf32>,
            tpu.vector_store %arg9[%swap3A_548, %swap3A_549], %mul3A_547 {strides = array<i32>} : memref<16x768xf32, #tpu.memory_space<vmem>>, vector<16xf32>,
            %get3A_551 = arith.index_cast %add3A_361 : i32 to index
            %get3A_552 = arith.constant 432 : index
            %get3A_553 = tpu.vector_load %arg8[%get3A_551, %get3A_552] {strides = array<i32>} : memref<128x768xf32, #tpu.memory_space<vmem>>, vector<16xf32>,
            %mul3A_554 = arith.mulf %get3A_553, %gather3A : vector<16xf32>
            %swap3A_555 = arith.index_cast %scan3A_354 : i32 to index
            %swap3A_556 = arith.constant 432 : index
            %swap3A_557 = tpu.vector_load %arg9[%swap3A_555, %swap3A_556] {strides = array<i32>} : memref<16x768xf32, #tpu.memory_space<vmem>>, vector<16xf32>,
            tpu.vector_store %arg9[%swap3A_555, %swap3A_556], %mul3A_554 {strides = array<i32>} : memref<16x768xf32, #tpu.memory_space<vmem>>, vector<16xf32>,
            %get3A_558 = arith.index_cast %add3A_361 : i32 to index
            %get3A_559 = arith.constant 448 : index
            %get3A_560 = tpu.vector_load %arg8[%get3A_558, %get3A_559] {strides = array<i32>} : memref<128x768xf32, #tpu.memory_space<vmem>>, vector<16xf32>,
            %mul3A_561 = arith.mulf %get3A_560, %gather3A : vector<16xf32>
            %swap3A_562 = arith.index_cast %scan3A_354 : i32 to index
            %swap3A_563 = arith.constant 448 : index
            %swap3A_564 = tpu.vector_load %arg9[%swap3A_562, %swap3A_563] {strides = array<i32>} : memref<16x768xf32, #tpu.memory_space<vmem>>, vector<16xf32>,
            tpu.vector_store %arg9[%swap3A_562, %swap3A_563], %mul3A_561 {strides = array<i32>} : memref<16x768xf32, #tpu.memory_space<vmem>>, vector<16xf32>,
            %get3A_565 = arith.index_cast %add3A_361 : i32 to index
            %get3A_566 = arith.constant 464 : index
            %get3A_567 = tpu.vector_load %arg8[%get3A_565, %get3A_566] {strides = array<i32>} : memref<128x768xf32, #tpu.memory_space<vmem>>, vector<16xf32>,
            %mul3A_568 = arith.mulf %get3A_567, %gather3A : vector<16xf32>
            %swap3A_569 = arith.index_cast %scan3A_354 : i32 to index
            %swap3A_570 = arith.constant 464 : index
            %swap3A_571 = tpu.vector_load %arg9[%swap3A_569, %swap3A_570] {strides = array<i32>} : memref<16x768xf32, #tpu.memory_space<vmem>>, vector<16xf32>,
            tpu.vector_store %arg9[%swap3A_569, %swap3A_570], %mul3A_568 {strides = array<i32>} : memref<16x768xf32, #tpu.memory_space<vmem>>, vector<16xf32>,
            %get3A_572 = arith.index_cast %add3A_361 : i32 to index
            %get3A_573 = arith.constant 480 : index
            %get3A_574 = tpu.vector_load %arg8[%get3A_572, %get3A_573] {strides = array<i32>} : memref<128x768xf32, #tpu.memory_space<vmem>>, vector<16xf32>,
            %mul3A_575 = arith.mulf %get3A_574, %gather3A : vector<16xf32>
            %swap3A_576 = arith.index_cast %scan3A_354 : i32 to index
            %swap3A_577 = arith.constant 480 : index
            %swap3A_578 = tpu.vector_load %arg9[%swap3A_576, %swap3A_577] {strides = array<i32>} : memref<16x768xf32, #tpu.memory_space<vmem>>, vector<16xf32>,
            tpu.vector_store %arg9[%swap3A_576, %swap3A_577], %mul3A_575 {strides = array<i32>} : memref<16x768xf32, #tpu.memory_space<vmem>>, vector<16xf32>,
            %get3A_579 = arith.index_cast %add3A_361 : i32 to index
            %get3A_580 = arith.constant 496 : index
            %get3A_581 = tpu.vector_load %arg8[%get3A_579, %get3A_580] {strides = array<i32>} : memref<128x768xf32, #tpu.memory_space<vmem>>, vector<16xf32>,
            %mul3A_582 = arith.mulf %get3A_581, %gather3A : vector<16xf32>
            %swap3A_583 = arith.index_cast %scan3A_354 : i32 to index
            %swap3A_584 = arith.constant 496 : index
            %swap3A_585 = tpu.vector_load %arg9[%swap3A_583, %swap3A_584] {strides = array<i32>} : memref<16x768xf32, #tpu.memory_space<vmem>>, vector<16xf32>,
            tpu.vector_store %arg9[%swap3A_583, %swap3A_584], %mul3A_582 {strides = array<i32>} : memref<16x768xf32, #tpu.memory_space<vmem>>, vector<16xf32>,
            %get3A_586 = arith.index_cast %add3A_361 : i32 to index
            %get3A_587 = arith.constant 512 : index
            %get3A_588 = tpu.vector_load %arg8[%get3A_586, %get3A_587] {strides = array<i32>} : memref<128x768xf32, #tpu.memory_space<vmem>>, vector<16xf32>,
            %mul3A_589 = arith.mulf %get3A_588, %gather3A : vector<16xf32>
            %swap3A_590 = arith.index_cast %scan3A_354 : i32 to index
            %swap3A_591 = arith.constant 512 : index
            %swap3A_592 = tpu.vector_load %arg9[%swap3A_590, %swap3A_591] {strides = array<i32>} : memref<16x768xf32, #tpu.memory_space<vmem>>, vector<16xf32>,
            tpu.vector_store %arg9[%swap3A_590, %swap3A_591], %mul3A_589 {strides = array<i32>} : memref<16x768xf32, #tpu.memory_space<vmem>>, vector<16xf32>,
            %get3A_593 = arith.index_cast %add3A_361 : i32 to index
            %get3A_594 = arith.constant 528 : index
            %get3A_595 = tpu.vector_load %arg8[%get3A_593, %get3A_594] {strides = array<i32>} : memref<128x768xf32, #tpu.memory_space<vmem>>, vector<16xf32>,
            %mul3A_596 = arith.mulf %get3A_595, %gather3A : vector<16xf32>
            %swap3A_597 = arith.index_cast %scan3A_354 : i32 to index
            %swap3A_598 = arith.constant 528 : index
            %swap3A_599 = tpu.vector_load %arg9[%swap3A_597, %swap3A_598] {strides = array<i32>} : memref<16x768xf32, #tpu.memory_space<vmem>>, vector<16xf32>,
            tpu.vector_store %arg9[%swap3A_597, %swap3A_598], %mul3A_596 {strides = array<i32>} : memref<16x768xf32, #tpu.memory_space<vmem>>, vector<16xf32>,
            %get3A_600 = arith.index_cast %add3A_361 : i32 to index
            %get3A_601 = arith.constant 544 : index
            %get3A_602 = tpu.vector_load %arg8[%get3A_600, %get3A_601] {strides = array<i32>} : memref<128x768xf32, #tpu.memory_space<vmem>>, vector<16xf32>,
            %mul3A_603 = arith.mulf %get3A_602, %gather3A : vector<16xf32>
            %swap3A_604 = arith.index_cast %scan3A_354 : i32 to index
            %swap3A_605 = arith.constant 544 : index
            %swap3A_606 = tpu.vector_load %arg9[%swap3A_604, %swap3A_605] {strides = array<i32>} : memref<16x768xf32, #tpu.memory_space<vmem>>, vector<16xf32>,
            tpu.vector_store %arg9[%swap3A_604, %swap3A_605], %mul3A_603 {strides = array<i32>} : memref<16x768xf32, #tpu.memory_space<vmem>>, vector<16xf32>,
            %get3A_607 = arith.index_cast %add3A_361 : i32 to index
            %get3A_608 = arith.constant 560 : index
            %get3A_609 = tpu.vector_load %arg8[%get3A_607, %get3A_608] {strides = array<i32>} : memref<128x768xf32, #tpu.memory_space<vmem>>, vector<16xf32>,
            %mul3A_610 = arith.mulf %get3A_609, %gather3A : vector<16xf32>
            %swap3A_611 = arith.index_cast %scan3A_354 : i32 to index
            %swap3A_612 = arith.constant 560 : index
            %swap3A_613 = tpu.vector_load %arg9[%swap3A_611, %swap3A_612] {strides = array<i32>} : memref<16x768xf32, #tpu.memory_space<vmem>>, vector<16xf32>,
            tpu.vector_store %arg9[%swap3A_611, %swap3A_612], %mul3A_610 {strides = array<i32>} : memref<16x768xf32, #tpu.memory_space<vmem>>, vector<16xf32>,
            %get3A_614 = arith.index_cast %add3A_361 : i32 to index
            %get3A_615 = arith.constant 576 : index
            %get3A_616 = tpu.vector_load %arg8[%get3A_614, %get3A_615] {strides = array<i32>} : memref<128x768xf32, #tpu.memory_space<vmem>>, vector<16xf32>,
            %mul3A_617 = arith.mulf %get3A_616, %gather3A : vector<16xf32>
            %swap3A_618 = arith.index_cast %scan3A_354 : i32 to index
            %swap3A_619 = arith.constant 576 : index
            %swap3A_620 = tpu.vector_load %arg9[%swap3A_618, %swap3A_619] {strides = array<i32>} : memref<16x768xf32, #tpu.memory_space<vmem>>, vector<16xf32>,
            tpu.vector_store %arg9[%swap3A_618, %swap3A_619], %mul3A_617 {strides = array<i32>} : memref<16x768xf32, #tpu.memory_space<vmem>>, vector<16xf32>,
            %get3A_621 = arith.index_cast %add3A_361 : i32 to index
            %get3A_622 = arith.constant 592 : index
            %get3A_623 = tpu.vector_load %arg8[%get3A_621, %get3A_622] {strides = array<i32>} : memref<128x768xf32, #tpu.memory_space<vmem>>, vector<16xf32>,
            %mul3A_624 = arith.mulf %get3A_623, %gather3A : vector<16xf32>
            %swap3A_625 = arith.index_cast %scan3A_354 : i32 to index
            %swap3A_626 = arith.constant 592 : index
            %swap3A_627 = tpu.vector_load %arg9[%swap3A_625, %swap3A_626] {strides = array<i32>} : memref<16x768xf32, #tpu.memory_space<vmem>>, vector<16xf32>,
            tpu.vector_store %arg9[%swap3A_625, %swap3A_626], %mul3A_624 {strides = array<i32>} : memref<16x768xf32, #tpu.memory_space<vmem>>, vector<16xf32>,
            %get3A_628 = arith.index_cast %add3A_361 : i32 to index
            %get3A_629 = arith.constant 608 : index
            %get3A_630 = tpu.vector_load %arg8[%get3A_628, %get3A_629] {strides = array<i32>} : memref<128x768xf32, #tpu.memory_space<vmem>>, vector<16xf32>,
            %mul3A_631 = arith.mulf %get3A_630, %gather3A : vector<16xf32>
            %swap3A_632 = arith.index_cast %scan3A_354 : i32 to index
            %swap3A_633 = arith.constant 608 : index
            %swap3A_634 = tpu.vector_load %arg9[%swap3A_632, %swap3A_633] {strides = array<i32>} : memref<16x768xf32, #tpu.memory_space<vmem>>, vector<16xf32>,
            tpu.vector_store %arg9[%swap3A_632, %swap3A_633], %mul3A_631 {strides = array<i32>} : memref<16x768xf32, #tpu.memory_space<vmem>>, vector<16xf32>,
            %get3A_635 = arith.index_cast %add3A_361 : i32 to index
            %get3A_636 = arith.constant 624 : index
            %get3A_637 = tpu.vector_load %arg8[%get3A_635, %get3A_636] {strides = array<i32>} : memref<128x768xf32, #tpu.memory_space<vmem>>, vector<16xf32>,
            %mul3A_638 = arith.mulf %get3A_637, %gather3A : vector<16xf32>
            %swap3A_639 = arith.index_cast %scan3A_354 : i32 to index
            %swap3A_640 = arith.constant 624 : index
            %swap3A_641 = tpu.vector_load %arg9[%swap3A_639, %swap3A_640] {strides = array<i32>} : memref<16x768xf32, #tpu.memory_space<vmem>>, vector<16xf32>,
            tpu.vector_store %arg9[%swap3A_639, %swap3A_640], %mul3A_638 {strides = array<i32>} : memref<16x768xf32, #tpu.memory_space<vmem>>, vector<16xf32>,
            %get3A_642 = arith.index_cast %add3A_361 : i32 to index
            %get3A_643 = arith.constant 640 : index
            %get3A_644 = tpu.vector_load %arg8[%get3A_642, %get3A_643] {strides = array<i32>} : memref<128x768xf32, #tpu.memory_space<vmem>>, vector<16xf32>,
            %mul3A_645 = arith.mulf %get3A_644, %gather3A : vector<16xf32>
            %swap3A_646 = arith.index_cast %scan3A_354 : i32 to index
            %swap3A_647 = arith.constant 640 : index
            %swap3A_648 = tpu.vector_load %arg9[%swap3A_646, %swap3A_647] {strides = array<i32>} : memref<16x768xf32, #tpu.memory_space<vmem>>, vector<16xf32>,
            tpu.vector_store %arg9[%swap3A_646, %swap3A_647], %mul3A_645 {strides = array<i32>} : memref<16x768xf32, #tpu.memory_space<vmem>>, vector<16xf32>,
            %get3A_649 = arith.index_cast %add3A_361 : i32 to index
            %get3A_650 = arith.constant 656 : index
            %get3A_651 = tpu.vector_load %arg8[%get3A_649, %get3A_650] {strides = array<i32>} : memref<128x768xf32, #tpu.memory_space<vmem>>, vector<16xf32>,
            %mul3A_652 = arith.mulf %get3A_651, %gather3A : vector<16xf32>
            %swap3A_653 = arith.index_cast %scan3A_354 : i32 to index
            %swap3A_654 = arith.constant 656 : index
            %swap3A_655 = tpu.vector_load %arg9[%swap3A_653, %swap3A_654] {strides = array<i32>} : memref<16x768xf32, #tpu.memory_space<vmem>>, vector<16xf32>,
            tpu.vector_store %arg9[%swap3A_653, %swap3A_654], %mul3A_652 {strides = array<i32>} : memref<16x768xf32, #tpu.memory_space<vmem>>, vector<16xf32>,
            %get3A_656 = arith.index_cast %add3A_361 : i32 to index
            %get3A_657 = arith.constant 672 : index
            %get3A_658 = tpu.vector_load %arg8[%get3A_656, %get3A_657] {strides = array<i32>} : memref<128x768xf32, #tpu.memory_space<vmem>>, vector<16xf32>,
            %mul3A_659 = arith.mulf %get3A_658, %gather3A : vector<16xf32>
            %swap3A_660 = arith.index_cast %scan3A_354 : i32 to index
            %swap3A_661 = arith.constant 672 : index
            %swap3A_662 = tpu.vector_load %arg9[%swap3A_660, %swap3A_661] {strides = array<i32>} : memref<16x768xf32, #tpu.memory_space<vmem>>, vector<16xf32>,
            tpu.vector_store %arg9[%swap3A_660, %swap3A_661], %mul3A_659 {strides = array<i32>} : memref<16x768xf32, #tpu.memory_space<vmem>>, vector<16xf32>,
            %get3A_663 = arith.index_cast %add3A_361 : i32 to index
            %get3A_664 = arith.constant 688 : index
            %get3A_665 = tpu.vector_load %arg8[%get3A_663, %get3A_664] {strides = array<i32>} : memref<128x768xf32, #tpu.memory_space<vmem>>, vector<16xf32>,
            %mul3A_666 = arith.mulf %get3A_665, %gather3A : vector<16xf32>
            %swap3A_667 = arith.index_cast %scan3A_354 : i32 to index
            %swap3A_668 = arith.constant 688 : index
            %swap3A_669 = tpu.vector_load %arg9[%swap3A_667, %swap3A_668] {strides = array<i32>} : memref<16x768xf32, #tpu.memory_space<vmem>>, vector<16xf32>,
            tpu.vector_store %arg9[%swap3A_667, %swap3A_668], %mul3A_666 {strides = array<i32>} : memref<16x768xf32, #tpu.memory_space<vmem>>, vector<16xf32>,
            %get3A_670 = arith.index_cast %add3A_361 : i32 to index
            %get3A_671 = arith.constant 704 : index
            %get3A_672 = tpu.vector_load %arg8[%get3A_670, %get3A_671] {strides = array<i32>} : memref<128x768xf32, #tpu.memory_space<vmem>>, vector<16xf32>,
            %mul3A_673 = arith.mulf %get3A_672, %gather3A : vector<16xf32>
            %swap3A_674 = arith.index_cast %scan3A_354 : i32 to index
            %swap3A_675 = arith.constant 704 : index
            %swap3A_676 = tpu.vector_load %arg9[%swap3A_674, %swap3A_675] {strides = array<i32>} : memref<16x768xf32, #tpu.memory_space<vmem>>, vector<16xf32>,
            tpu.vector_store %arg9[%swap3A_674, %swap3A_675], %mul3A_673 {strides = array<i32>} : memref<16x768xf32, #tpu.memory_space<vmem>>, vector<16xf32>,
            %get3A_677 = arith.index_cast %add3A_361 : i32 to index
            %get3A_678 = arith.constant 720 : index
            %get3A_679 = tpu.vector_load %arg8[%get3A_677, %get3A_678] {strides = array<i32>} : memref<128x768xf32, #tpu.memory_space<vmem>>, vector<16xf32>,
            %mul3A_680 = arith.mulf %get3A_679, %gather3A : vector<16xf32>
            %swap3A_681 = arith.index_cast %scan3A_354 : i32 to index
            %swap3A_682 = arith.constant 720 : index
            %swap3A_683 = tpu.vector_load %arg9[%swap3A_681, %swap3A_682] {strides = array<i32>} : memref<16x768xf32, #tpu.memory_space<vmem>>, vector<16xf32>,
            tpu.vector_store %arg9[%swap3A_681, %swap3A_682], %mul3A_680 {strides = array<i32>} : memref<16x768xf32, #tpu.memory_space<vmem>>, vector<16xf32>,
            %get3A_684 = arith.index_cast %add3A_361 : i32 to index
            %get3A_685 = arith.constant 736 : index
            %get3A_686 = tpu.vector_load %arg8[%get3A_684, %get3A_685] {strides = array<i32>} : memref<128x768xf32, #tpu.memory_space<vmem>>, vector<16xf32>,
            %mul3A_687 = arith.mulf %get3A_686, %gather3A : vector<16xf32>
            %swap3A_688 = arith.index_cast %scan3A_354 : i32 to index
            %swap3A_689 = arith.constant 736 : index
            %swap3A_690 = tpu.vector_load %arg9[%swap3A_688, %swap3A_689] {strides = array<i32>} : memref<16x768xf32, #tpu.memory_space<vmem>>, vector<16xf32>,
            tpu.vector_store %arg9[%swap3A_688, %swap3A_689], %mul3A_687 {strides = array<i32>} : memref<16x768xf32, #tpu.memory_space<vmem>>, vector<16xf32>,
            %get3A_691 = arith.index_cast %add3A_361 : i32 to index
            %get3A_692 = arith.constant 752 : index
            %get3A_693 = tpu.vector_load %arg8[%get3A_691, %get3A_692] {strides = array<i32>} : memref<128x768xf32, #tpu.memory_space<vmem>>, vector<16xf32>,
            %mul3A_694 = arith.mulf %get3A_693, %gather3A : vector<16xf32>
            %swap3A_695 = arith.index_cast %scan3A_354 : i32 to index
            %swap3A_696 = arith.constant 752 : index
            %swap3A_697 = tpu.vector_load %arg9[%swap3A_695, %swap3A_696] {strides = array<i32>} : memref<16x768xf32, #tpu.memory_space<vmem>>, vector<16xf32>,
            tpu.vector_store %arg9[%swap3A_695, %swap3A_696], %mul3A_694 {strides = array<i32>} : memref<16x768xf32, #tpu.memory_space<vmem>>, vector<16xf32>,
          }
          %scan3A_350 = arith.constant 16 : i32
          %mul3A_351 = arith.constant 16 : i32
          %mul3A_352 = arith.muli %scan3A_322, %mul3A_351 : i32
          %add3A_353 = arith.addi %mul3A_2, %mul3A_352 : i32
          "tpu.region"() ({
            %run_scoped3A = tpu.sem_alloc : memref<!tpu.dma_semaphore, #tpu.memory_space<semaphore_mem>>
            %dma_start3A_354 = arith.constant 0 : i32
            %dma_start3A_355 = tpu.memref_slice %arg4[%scan3A_316, %add3A_353, %dma_start3A_354] : memref<4x4096x768xf32, #tpu.memory_space<hbm>> -> memref<1x16x768xf32, #tpu.memory_space<hbm>>
            %dma_start3A_356 = tpu.memref_squeeze %dma_start3A_355 : memref<1x16x768xf32, #tpu.memory_space<hbm>> -> memref<16x768xf32, #tpu.memory_space<hbm>>
            %dma_start3A_357 = arith.constant 0 : i32
            %dma_start3A_358 = tpu.memref_slice %arg4[%scan3A_316, %add3A_353, %dma_start3A_357] : memref<4x4096x768xf32, #tpu.memory_space<hbm>> -> memref<1x16x768xf32, #tpu.memory_space<hbm>>
            %dma_start3A_359 = tpu.memref_squeeze %dma_start3A_358 : memref<1x16x768xf32, #tpu.memory_space<hbm>> -> memref<16x768xf32, #tpu.memory_space<hbm>>
            tpu.enqueue_dma source(%arg9 : memref<16x768xf32, #tpu.memory_space<vmem>>) target(%dma_start3A_359 : memref<16x768xf32, #tpu.memory_space<hbm>>) target_semaphore(%run_scoped3A : memref<!tpu.dma_semaphore, #tpu.memory_space<semaphore_mem>>)
            %dma_wait3A_360 = arith.constant 0 : i32
            %dma_wait3A_361 = tpu.memref_slice %arg4[%scan3A_316, %add3A_353, %dma_wait3A_360] : memref<4x4096x768xf32, #tpu.memory_space<hbm>> -> memref<1x16x768xf32, #tpu.memory_space<hbm>>
            %dma_wait3A_362 = tpu.memref_squeeze %dma_wait3A_361 : memref<1x16x768xf32, #tpu.memory_space<hbm>> -> memref<16x768xf32, #tpu.memory_space<hbm>>
            %dma_wait3A_363 = arith.constant 0 : i32
            %dma_wait3A_364 = tpu.memref_slice %arg4[%scan3A_316, %add3A_353, %dma_wait3A_363] : memref<4x4096x768xf32, #tpu.memory_space<hbm>> -> memref<1x16x768xf32, #tpu.memory_space<hbm>>
            %dma_wait3A_365 = tpu.memref_squeeze %dma_wait3A_364 : memref<1x16x768xf32, #tpu.memory_space<hbm>> -> memref<16x768xf32, #tpu.memory_space<hbm>>
            tpu.wait_dma2 semaphore(%run_scoped3A : memref<!tpu.dma_semaphore, #tpu.memory_space<semaphore_mem>>) src(%arg9 : memref<16x768xf32, #tpu.memory_space<vmem>>) dst(%dma_wait3A_365 : memref<16x768xf32, #tpu.memory_space<hbm>>)
            tpu.yield
          }) : () -> ()
        } else {
        }
      }
      %scan3A_321 = arith.constant 8 : i32
    }
    %scan3A_315 = arith.constant 4 : i32
    return
  }
}

</mosaic_0001>

<sc_bundles>
// kernel: kernel.3.cloned.1.call-start
scs
__scs_entry_jumppad:
0x0: {  	(pc) =	sbr.rel $0x88, $3  }
0x1: {  	(tag) =	ssettag $0x0;
	lr =	simm.s32 $0x1  }
0x2: {  	[smem:$0x3F9F] =	sst lr;
	_ =	strace $0xD0000000  }
0x3: {  	_ = 	snop  }
0x4: {  	_ = 	snop  }
0x5: {  	_ = 	snop  }
0x6: {  	_ = 	snop  }
0x7: {  	_ = 	snop  }
__scs_overlays_trampoline_lowered:
0x8: {  	[smem:$0x3FAE] =	sst s0  }
0x9: {  	[smem:$0x3FAF] =	sst s1  }
0xa: {  	[smem:$0x3FB0] =	sst s2  }
0xb: {  	[smem:$0x3FB1] =	sst s3  }
0xc: {  	[smem:$0x3FB2] =	sst s4  }
0xd: {  	[smem:$0x3FB3] =	sst s5  }
0xe: {  	[smem:$0x3FB4] =	sst s6  }
0xf: {  	[smem:$0x3FB5] =	sst s7  }
0x10: {  	[smem:$0x3FB6] =	sst s8  }
0x11: {  	[smem:$0x3FB7] =	sst s9;
	s0 =	simm.s32 @!p0 $0x0  }
0x12: {  	s1 =	sld [smem:$0x3F9D];
	s0 =	simm.s32 @p0 $0x1  }
0x13: {  	[smem:$0x3FB8] =	sst s0;
	s0 =	simm.s32 @!p1 $0x0  }
0x14: {  	s2 =	sld [smem:$0x3F9C];
	s0 =	simm.s32 @p1 $0x1  }
0x15: {  	[smem:$0x3FB9] =	sst s0;
	s0 =	simm.s32 @!p2 $0x0  }
0x16: {  	s3 =	sld [smem:$0x3FDB];
	s0 =	simm.s32 @p2 $0x1  }
0x17: {  	s4 =	simm.s32 $0x1BF5;
	[smem:$0x3FBB] =	sst s0  }
0x18: {  	s0 =	sld [smem:$0x3F9E];
	_ =	swait.ge [sflag:s4], $0x0  }
0x19: {  	s7 =	sld [smem:$0x3F9F]  }
0x1a: {  	s8 =	sadd.s32 $0xFFFFE003, lr  }
0x1b: {  	s9 =	sadd.s32 $0xFFFFFEF7, lr;
	s5 =	simm.s32 $0xFFFFFFFF;
	p2 =	slt.u32 s8, $0xFFFFF086  }
0x1c: {  	p1 =	slt.u32 s9, $0xF7A;
	s5 =	simm.s32 @!p2 $0x0  }
0x1d: {  	s5 =	simm.s32 @p1 $0x1;
	p0 =	seq.s32 s7, s2  }
0x1e: {  	s7 =	smul.u32 @!p0 $0xF7A, s2;
	p2 =	seq.s32 @!p0 s5, $0x0  }
0x1f: {  	s9 =	smul.u32 $0xF7A, s1;
	s8 =	simm.s32 @!p0 $0x1BF5;
	p2 =	por !p2, p0  }
0x20: {  	[sflag:s8] =	ssyncset.s32 @!p0 $0xFFFFF086;
	s6 =	sadd.s32 @!p0 s3, s7;
	s7 =	simm.s32 @!p0 $0x108  }
0x21: {  	s3 =	sadd.s32 s3, s9;
	s6 =	sadd.s32 @!p0 $0x88, s6;
	s7 =	simm.s32 @p2 $0x1082  }
0x22: {  	[simem:s7], [sflag:s8] =	dma.local @!p0 [hbm:s6], $0xF7A  }
0x23: {  	s9 =	sor.u32 $0xD0000000, s2;
	s6 =	simm.s32 $0x108;
	_ =	swait.ge @!p0 [sflag:s8], $0x0  }
0x24: {  	s3 =	sadd.s32 $0x88, s3;
	s6 =	simm.s32 @!p1 $0x1082;
	[sflag:s4] =	ssyncset.s32 $0xFFFFF086  }
0x25: {  	[simem:s6], [sflag:s4] =	dma.local [hbm:s3], $0xF7A  }
0x26: {  	[smem:$0x3F9F] =	sst s1;
	(tag) =	ssettag s2;
	_ =	strace s9  }
0x27: {  	s1 =	sld [smem:$0x3FAF]  }
0x28: {  	s2 =	sld [smem:$0x3FB0]  }
0x29: {  	s4 =	sld [smem:$0x3FB2]  }
0x2a: {  	p0 =	seq.s32 s5, $0x0;
	s5 =	sld [smem:$0x3FB3]  }
0x2b: {  	s6 =	sld [smem:$0x3FB4]  }
0x2c: {  	s7 =	sld [smem:$0x3FB5]  }
0x2d: {  	s3 =	simm.s32 $0x108;
	s8 =	sld [smem:$0x3FB6]  }
0x2e: {  	s3 =	simm.s32 @!p0 $0x1082;
	s9 =	sld [smem:$0x3FB7]  }
0x2f: {  	lr =	sadd.s32 s0, s3;
	s0 =	sld [smem:$0x3FAE]  }
0x30: {  	s3 =	sld [smem:$0x3FB1]  }
0x31: {  	[smem:$0x3FBA] =	sst s10  }
0x32: {  	s10 =	sld [smem:$0x3FB8];
	_ =	sdelay $0x3  }
0x33: {  	p0 =	seq.s32 s10, $0x1;
	s10 =	sld [smem:$0x3FBA];
	_ =	sdelay $0x3  }
0x34: {  	[smem:$0x3FBA] =	sst s10  }
0x35: {  	s10 =	sld [smem:$0x3FB9];
	_ =	sdelay $0x3  }
0x36: {  	p1 =	seq.s32 s10, $0x1;
	s10 =	sld [smem:$0x3FBA];
	_ =	sdelay $0x3  }
0x37: {  	[smem:$0x3FBA] =	sst s10  }
0x38: {  	s10 =	sld [smem:$0x3FBB]  }
0x39: {  	_ = 	snop;
	(pc) =	sbr.ind lr, $3  }
0x3a: {  	_ = 	snop  }
0x3b: {  	_ = 	snop  }
0x3c: {  	p2 =	seq.s32 s10, $0x1;
	s10 =	sld [smem:$0x3FBA]  }
0x3d: {  	_ =	shalt  }
0x3e: {  	_ =	shalt  }
0x3f: {  	_ =	shalt  }
0x40: {  	_ =	shalt  }
0x41: {  	_ =	shalt  }
0x42: {  	_ =	shalt  }
0x43: {  	_ =	shalt  }
0x44: {  	_ =	shalt  }
0x45: {  	_ =	shalt  }
0x46: {  	_ =	shalt  }
0x47: {  	_ =	shalt  }
0x48: {  	_ =	shalt  }
0x49: {  	_ =	shalt  }
0x4a: {  	_ =	shalt  }
0x4b: {  	_ =	shalt  }
0x4c: {  	_ =	shalt  }
0x4d: {  	_ =	shalt  }
0x4e: {  	_ =	shalt  }
0x4f: {  	_ =	shalt  }
0x50: {  	_ =	shalt  }
0x51: {  	_ =	shalt  }
0x52: {  	_ =	shalt  }
0x53: {  	_ =	shalt  }
0x54: {  	_ =	shalt  }
0x55: {  	_ =	shalt  }
0x56: {  	_ =	shalt  }
0x57: {  	_ =	shalt  }
0x58: {  	_ =	shalt  }
0x59: {  	_ =	shalt  }
0x5a: {  	_ =	shalt  }
0x5b: {  	_ =	shalt  }
0x5c: {  	_ =	shalt  }
0x5d: {  	_ =	shalt  }
0x5e: {  	_ =	shalt  }
0x5f: {  	_ =	shalt  }
0x60: {  	_ =	shalt  }
0x61: {  	_ =	shalt  }
0x62: {  	_ =	shalt  }
0x63: {  	_ =	shalt  }
0x64: {  	_ =	shalt  }
0x65: {  	_ =	shalt  }
0x66: {  	_ =	shalt  }
0x67: {  	_ =	shalt  }
0x68: {  	_ =	shalt  }
0x69: {  	_ =	shalt  }
0x6a: {  	_ =	shalt  }
0x6b: {  	_ =	shalt  }
0x6c: {  	_ =	shalt  }
0x6d: {  	_ =	shalt  }
0x6e: {  	_ =	shalt  }
0x6f: {  	_ =	shalt  }
0x70: {  	_ =	shalt  }
0x71: {  	_ =	shalt  }
0x72: {  	_ =	shalt  }
0x73: {  	_ =	shalt  }
0x74: {  	_ =	shalt  }
0x75: {  	_ =	shalt  }
0x76: {  	_ =	shalt  }
0x77: {  	_ =	shalt  }
0x78: {  	_ =	shalt  }
0x79: {  	_ =	shalt  }
0x7a: {  	_ =	shalt  }
0x7b: {  	_ =	shalt  }
0x7c: {  	_ =	shalt  }
0x7d: {  	_ =	shalt  }
0x7e: {  	_ =	shalt  }
0x7f: {  	_ =	shalt  }
0x80: {  	_ =	shalt  }
0x81: {  	_ =	shalt  }
0x82: {  	_ =	shalt  }
0x83: {  	_ =	shalt  }
0x84: {  	_ =	shalt  }
0x85: {  	_ =	shalt  }
0x86: {  	_ =	shalt  }
0x87: {  	_ =	shalt  }
.Lfunc_end0:
.L_simem_size_0:
called_computation_lowered:
.L_overlay_start_0:
0x88: {  	s2 =	sld [smem:$0x3FD9]  }
0x89: {  	s3 =	sld [smem:$0x3FFE];
	_ =	sdelay $0x1  }
0x8a: {  	s1 =	srdreg.scid  }
0x8b: {  	s0 =	sand.u32 $0x1, s1  }
0x8c: {  	s18 =	sshll.u32 s0, $0xA;
	s2 =	sadd.s32 s3, s2  }
0x8d: {  	s2 =	sadd.s32 s2, s18  }
0x8e: {  	[smem:$0x3FC6] =	sst s2  }
0x8f: {  	_ = 	snop  }
0x90: {  	s2 =	sld [smem:$0x3FC9]  }
0x91: {  	s19 =	sld [smem:$0x3FC8]  }
0x92: {  	s4 =	sld [smem:$0x3FD0];
	(tm) =	ssettm $0x1  }
0x93: {  	s5 =	sld [smem:$0x3FFB];
	_ =	sdelay $0x3  }
0x94: {  	_ =	strace s5  }
0x95: {  	s5 =	sld [smem:$0x3FFC];
	_ =	sdelay $0x3  }
0x96: {  	_ =	strace s5  }
0x97: {  	s5 =	sld [smem:$0x3FFD];
	_ =	sdelay $0x3  }
0x98: {  	_ =	strace s5  }
0x99: {  	_ =	strace $0x8FFFFFFF  }
0x9a: {  	s20 =	sld [smem:$0x3FDB];
	_ =	sdelay $0x1  }
0x9b: {  	s6 =	simm.s32 $_scs_section_size  }
0x9c: {  	s7 =	simm.s32 $_size__tile_overlayer_lowered;
	s8 =	simm.s32 $_tile_overlayer_lowered  }
0x9d: {  	s23 =	simm.s32 $0x1BFF;
	s22 =	sshll.u32 s8, $0x1;
	s5 =	sadd.s32 s6, s20  }
0x9e: {  	s9 =	simm.s32 $0x0;
	s21 =	sshll.u32 s7, $0x1;
	s7 =	sadd.s32 s22, s5  }
0x9f: {  	[timem:s9], [sflag:s23] =	dma.local [hbm:s7], s21  }
0xa0: {  	_ =	swait.ge [sflag:s23], s21  }
0xa1: {  	s6 =	ssub.s32 $0x0, s21;
	[sflag:s23] =	ssyncset.done $0x0  }
0xa2: {  	[sflag:s23] =	ssyncadd.s32 s6;
	_ =	sdelay $0x1  }
0xa3: {  	s24 =	simm.s32 $0x1B8B  }
0xa4: {  	_ =	swait.ge [sflag:s24], $0x1  }
0xa5: {  	[sflag:s24] =	ssyncset.done $0x0  }
0xa6: {  	s25 =	simm.s32 $0x1B8E;
	[sflag:s24] =	ssyncadd.s32 $0xFFFFFFFF  }
0xa7: {  	s26 =	simm.s32 $execute0_lowered;
	[smem:$0x3FD2] =	sst s25  }
0xa8: {  	s6 =	sshll.u32 s26, $0x1;
	_ =	strace $0x80000046;
	[dreg:$0x1] =	wrdreg $0xFFFFFFFF  }
0xa9: {  	s28 =	simm.s32 $_size_execute0_lowered;
	s5 =	sadd.s32 s5, s6;
	[dreg:$0x0] =	wrdreg $0x0  }
0xaa: {  	s6 =	sshll.u32 s28, $0x1;
	[dreg:$0x2] =	wrdreg s5  }
0xab: {  	[dreg:$0x3] =	wrdreg s6  }
0xac: {  	[dreg:$0x4] =	wrdreg $0xC0  }
0xad: {  	_ =	task [dreg:s9], $0x5FFFF  }
0xae: {  	[dreg:$0x1] =	wrdreg $0xFFFFFFFF  }
0xaf: {  	[dreg:$0x0] =	wrdreg $0x60  }
0xb0: {  	[dreg:$0x2] =	wrdreg s2  }
0xb1: {  	[dreg:$0x3] =	wrdreg s19  }
0xb2: {  	[dreg:$0x4] =	wrdreg s4  }
0xb3: {  	[dreg:$0x5] =	wrdreg $0x9  }
0xb4: {  	_ =	task.clear_ibuf [dreg:s9], $0x6FFFF;
	_ =	strace $0x90000046  }
0xb5: {  	s29 =	simm.s32 $0x9;
	_ =	strace $0x80000048  }
0xb6: {  	_ =	swait.ge [sflag:s29], $0x1  }
0xb7: {  	[sflag:s29] =	ssyncadd.s32 $0xFFFFFFFF  }
0xb8: {  	_ =	strace $0x90000048  }
0xb9: {  	_ =	sfence  }
0xba: {  	s30 =	sld [smem:$0x0];
	_ =	sdelay $0x2  }
0xbb: {  	s31 =	sshll.u32 s1, $0xD;
	s1 =	sshrl.u32 s1, $0x2  }
0xbc: {  	s3 =	sand.u32 $0x4000, s31;
	s1 =	sadd.s32 s1, s30  }
0xbd: {  	s0 =	sor.u32 s3, s0;
	s1 =	sshll.u32 s1, $0x11  }
0xbe: {  	s0 =	sor.u32 s1, s0  }
0xbf: {  	s0 =	sadd.s32 $0x8F2B, s0  }
0xc0: {  	[sflag:s0] =	ssyncadd.remote.s32 $0x1  }
0xc1: {  	_ =	sfence.sel $0xFFFF  }
0xc2: {  	[dreg:$0x0] =	wrdreg $0xFFFFFFFF;
	(pc) =	sbr.abs _section_cstart, $3  }
0xc3: {  	[dreg:$0x1] =	wrdreg $0xFFFFFFFF  }
0xc4: {  	_ =	task.clear_ibuf [dreg:s9], $0x2FFFF;
	_ =	strace $0x9FFFFFFF  }
0xc5: {  	(tm) =	ssettm $0x7FFFFFFF  }
tec
execute0_lowered:
.L_overlay_start_1:
0x0: {  	(tag) =	ssettag $0x1  }
0x1: {  	s9 =	rddreg [dreg:$0x0]  }
0x2: {  	s1 =	rddreg [dreg:$0x1]  }
0x3: {  	s3 =	rddreg [dreg:$0x2];
	s0 =	srdreg.scid;
	s4 =	simm.s32 $0x0  }
0x4: {  	s5 =	stileid.u32;
	s18 =	simm.s32 $0x300;
	s29 =	simm.s32 $0xC300  }
0x5: {  	s28 =	simm.s32 $0x2;
	s30 =	simm.s32 $0x3;
	s0 =	sand.u32 $0x1, s0  }
0x6: {  	s31 =	simm.s32 $0x200;
	s5 =	sshll.u32 s5, $0x8;
	s2 =	ssub.s32 $0x2, s0  }
0x7: {  	[smem:$0x7FF] =	sst s4;
	s0 =	sshll.u32 s0, $0x7;
	s6 =	sshrl.u32 s2, $0x1  }
0x8: {  	_ =	strace $0x80000047;
	s5 =	sor.u32 s0, s5;
	s17 =	ssub.s32 s2, s6  }
0x9: {  	s20 =	sor.u32 $0x1, s5;
	s21 =	sor.u32 $0x11, s5;
	s11 =	sor.u32 $0x21, s5  }
0xa: {  	s0 =	sshrl.u32 s5, $0x3;
	s19 =	sor.u32 $0x31, s5;
	s22 =	sor.u32 $0x41, s5  }
0xb: {  	v10 =	vlaneseq.u32;
	s8 =	sor.u32 $0x51, s5;
	s10 =	sor.u32 $0x61, s5;
	s23 =	sor.u32 $0x71, s5  }
0xc: {  	vm0 =	vmmov $0xffff;
	s6 =	sadd.s32 $0x100, s1;
	s12 =	sshrl.u32 s5, $0x1;
	s7 =	smul.u32 $0x1800, s0;
	v0 =	vadd.s32 s20, v10  }
0xd: {  	v13 =	vimm.s32 $0x0;
	v6 =	vshrl.u32 v10, $0x3;
	s2 =	simm.s32 $0x0;
	s9 =	sadd.s32 s9, s12;
	s17 =	smax.u32 s17, $0x1;
	v1 =	vshrl.u32 v0, $0x3  }
0xe: {  	v14 =	vimm.f32 $1.000000000e+00;
	v6 =	vmul.u32 $0x8, v6;
	s0 =	simm.s32 $0x18300;
	[dreg:$0x4] =	wrdreg s9;
	s13 =	sshrl.u32 s7, $0x3;
	v4 =	vmul.u32 $0x30, v1  }
.Ltmp0:
0xf: {  	v2 =	vadd.s32 s11, v10;
	v3 =	vadd.s32 s19, v10;
	v5 =	vand.u32 $0x7, v0;
	s7 =	sadd.s32 $0x200, s1;
	s9 =	sadd.s32 s3, s13;
	(pc) =	sbr.rel .LBB2_1-.Ltmp0, $4  }
0x10: {  	s24 =	sadd.s32 $0x60000, s9;
	s25 =	sadd.s32 $0xC0000, s9;
	s26 =	sadd.s32 $0x120000, s9;
	v7 =	vor.u32 v5, v4;
	v4 =	vand.u32 $0x7, v10;
	v5 =	vor.u32 $0x8, v10  }
0x11: {  	v8 =	vadd.s32 s8, v10;
	s13 =	sadd.s32 $0x1800, s9;
	s14 =	sadd.s32 $0x61800, s9;
	[dreg:$0x5] =	wrdreg s24;
	v11 =	vperm.xlane v7, v4;
	v12 =	vperm.xlane v7, v5  }
0x12: {  	v9 =	vadd.s32 s10, v10;
	v1 =	vadd.s32 s21, v10;
	s15 =	sadd.s32 $0xC1800, s9;
	s16 =	sadd.s32 $0x121800, s9;
	[dreg:$0x6] =	wrdreg s25;
	v7 =	vadd.s32 s22, v10  }
0x13: {  	[dreg:$0x7] =	wrdreg s26;
	s25 =	simm.s32 $0x4;
	v10 =	vadd.s32 s23, v10;
	s26 =	simm.s32 $0x1;
	v11 =	vadd.s32 v6, v11;
	v12 =	vadd.s32 v6, v12  }
.LBB2_9:
0x14: {  	s2 =	sadd.s32 $0x1, s2  }
0x15: {  	p0 =	sne.s32 s2, s17  }
.Ltmp1:
0x16: {  	_ = 	snop;
	(pc) =	sbr.rel @!p0 .LBB2_10-.Ltmp1, $1  }
0x17: {  	_ =	sdelay $0x3  }
.LBB2_1:
0x18: {  	[tilespmem:$0x280] =	vst v0  }
0x19: {  	[tilespmem:$0x290] =	vst v1  }
0x1a: {  	[tilespmem:$0x2A0] =	vst v2  }
0x1b: {  	[tilespmem:$0x2B0] =	vst v3  }
0x1c: {  	[tilespmem:$0x2C0] =	vst v7  }
0x1d: {  	[tilespmem:$0x2D0] =	vst v8  }
0x1e: {  	[tilespmem:$0x2E0] =	vst v9  }
0x1f: {  	[tilespmem:$0x2F0] =	vst v10  }
0x20: {  	[tilespmem:s18], [sflag:$0x1] =	stream.indirect_vreg.gather [hbm4b:s1+s4], $0x80, v11, vm0, $0xb8;
	[tilespmem:$0x1B300] =	vst v63  }
0x21: {  	s8 =	simm.s32 $0xB00  }
0x22: {  	[tilespmem:s8], [sflag:$0x1] =	stream.indirect_vreg.gather [hbm4b:s6+s4], $0x80, v11, vm0, $0xb8;
	[tilespmem:$0x1B300] =	vst v63  }
0x23: {  	s21 =	simm.s32 $0x1300  }
0x24: {  	[tilespmem:s21], [sflag:$0x1] =	stream.indirect_vreg.gather [hbm4b:s7+s4], $0x80, v11, vm0, $0xb8;
	[tilespmem:$0x1B300] =	vst v63  }
0x25: {  	s22 =	simm.s32 $0x1B00  }
0x26: {  	[tilespmem:s22], [sflag:$0x1] =	stream.indirect_vreg.gather [hbm4b:s1+s4], $0x80, v12, vm0, $0xb8;
	[tilespmem:$0x1B300] =	vst v63  }
0x27: {  	s23 =	simm.s32 $0x2300  }
0x28: {  	[tilespmem:s23], [sflag:$0x1] =	stream.indirect_vreg.gather [hbm4b:s6+s4], $0x80, v12, vm0, $0xb8;
	[tilespmem:$0x1B300] =	vst v63  }
0x29: {  	s24 =	simm.s32 $0x2B00  }
0x2a: {  	[tilespmem:s24], [sflag:$0x1] =	stream.indirect_vreg.gather [hbm4b:s7+s4], $0x80, v12, vm0, $0xb8;
	[tilespmem:$0x1B300] =	vst v63  }
0x2b: {  	v15 =	vld [tilespmem:$0x290];
	_ =	sdelay $0x4  }
0x2c: {  	v16 =	vshrl.u32 v15, $0x3  }
0x2d: {  	v16 =	vmul.u32 $0x30, v16  }
0x2e: {  	v15 =	vand.u32 $0x7, v15  }
0x2f: {  	v15 =	vor.u32 v15, v16  }
0x30: {  	v16 =	vperm.xlane v15, v4;
	_ =	sdelay $0x1  }
0x31: {  	v16 =	vadd.s32 v6, v16;
	_ =	sdelay $0x3  }
0x32: {  	s10 =	simm.s32 $0x3300;
	v15 =	vperm.xlane v15, v5  }
0x33: {  	[tilespmem:s10], [sflag:$0x1] =	stream.indirect_vreg.gather [hbm4b:s1+s4], $0x80, v16, vm0, $0xb8;
	[tilespmem:$0x1B300] =	vst v63  }
0x34: {  	s11 =	simm.s32 $0x3B00;
	v15 =	vadd.s32 v6, v15  }
0x35: {  	[tilespmem:s11], [sflag:$0x1] =	stream.indirect_vreg.gather [hbm4b:s6+s4], $0x80, v16, vm0, $0xb8;
	[tilespmem:$0x1B300] =	vst v63  }
0x36: {  	s12 =	simm.s32 $0x4300  }
0x37: {  	[tilespmem:s12], [sflag:$0x1] =	stream.indirect_vreg.gather [hbm4b:s7+s4], $0x80, v16, vm0, $0xb8;
	[tilespmem:$0x1B300] =	vst v63  }
0x38: {  	s19 =	simm.s32 $0x4B00  }
0x39: {  	[tilespmem:s19], [sflag:$0x1] =	stream.indirect_vreg.gather [hbm4b:s1+s4], $0x80, v15, vm0, $0xb8;
	[tilespmem:$0x1B300] =	vst v63  }
0x3a: {  	s20 =	simm.s32 $0x5300  }
0x3b: {  	[tilespmem:s20], [sflag:$0x1] =	stream.indirect_vreg.gather [hbm4b:s6+s4], $0x80, v15, vm0, $0xb8;
	[tilespmem:$0x1B300] =	vst v63  }
0x3c: {  	s21 =	simm.s32 $0x5B00  }
0x3d: {  	[tilespmem:s21], [sflag:$0x1] =	stream.indirect_vreg.gather [hbm4b:s7+s4], $0x80, v15, vm0, $0xb8;
	[tilespmem:$0x1B300] =	vst v63  }
0x3e: {  	v15 =	vld [tilespmem:$0x2A0];
	_ =	sdelay $0x4  }
0x3f: {  	v58 =	vshrl.u32 v15, $0x3  }
0x40: {  	v16 =	vmul.u32 $0x30, v58  }
0x41: {  	v15 =	vand.u32 $0x7, v15  }
0x42: {  	v15 =	vor.u32 v15, v16  }
0x43: {  	v16 =	vperm.xlane v15, v4;
	_ =	sdelay $0x1  }
0x44: {  	v16 =	vadd.s32 v6, v16;
	_ =	sdelay $0x3  }
0x45: {  	s22 =	simm.s32 $0x6300;
	v15 =	vperm.xlane v15, v5  }
0x46: {  	[tilespmem:s22], [sflag:$0x1] =	stream.indirect_vreg.gather [hbm4b:s1+s4], $0x80, v16, vm0, $0xb8;
	[tilespmem:$0x1B300] =	vst v63  }
0x47: {  	s23 =	simm.s32 $0x6B00;
	v15 =	vadd.s32 v6, v15  }
0x48: {  	[tilespmem:s23], [sflag:$0x1] =	stream.indirect_vreg.gather [hbm4b:s6+s4], $0x80, v16, vm0, $0xb8;
	[tilespmem:$0x1B300] =	vst v63  }
0x49: {  	s24 =	simm.s32 $0x7300  }
0x4a: {  	[tilespmem:s24], [sflag:$0x1] =	stream.indirect_vreg.gather [hbm4b:s7+s4], $0x80, v16, vm0, $0xb8;
	[tilespmem:$0x1B300] =	vst v63  }
0x4b: {  	s10 =	simm.s32 $0x7B00  }
0x4c: {  	[tilespmem:s10], [sflag:$0x1] =	stream.indirect_vreg.gather [hbm4b:s1+s4], $0x80, v15, vm0, $0xb8;
	[tilespmem:$0x1B300] =	vst v63  }
0x4d: {  	s11 =	simm.s32 $0x8300  }
0x4e: {  	[tilespmem:s11], [sflag:$0x1] =	stream.indirect_vreg.gather [hbm4b:s6+s4], $0x80, v15, vm0, $0xb8;
	[tilespmem:$0x1B300] =	vst v63  }
0x4f: {  	s12 =	simm.s32 $0x8B00  }
0x50: {  	[tilespmem:s12], [sflag:$0x1] =	stream.indirect_vreg.gather [hbm4b:s7+s4], $0x80, v15, vm0, $0xb8;
	[tilespmem:$0x1B300] =	vst v63  }
0x51: {  	v15 =	vld [tilespmem:$0x2B0];
	_ =	sdelay $0x4  }
0x52: {  	v59 =	vshrl.u32 v15, $0x3  }
0x53: {  	v16 =	vmul.u32 $0x30, v59  }
0x54: {  	v15 =	vand.u32 $0x7, v15  }
0x55: {  	v15 =	vor.u32 v15, v16  }
0x56: {  	v16 =	vperm.xlane v15, v4;
	_ =	sdelay $0x1  }
0x57: {  	v16 =	vadd.s32 v6, v16;
	_ =	sdelay $0x3  }
0x58: {  	s19 =	simm.s32 $0x9300;
	v15 =	vperm.xlane v15, v5  }
0x59: {  	[tilespmem:s19], [sflag:$0x1] =	stream.indirect_vreg.gather [hbm4b:s1+s4], $0x80, v16, vm0, $0xb8;
	[tilespmem:$0x1B300] =	vst v63  }
0x5a: {  	s20 =	simm.s32 $0x9B00;
	v15 =	vadd.s32 v6, v15  }
0x5b: {  	[tilespmem:s20], [sflag:$0x1] =	stream.indirect_vreg.gather [hbm4b:s6+s4], $0x80, v16, vm0, $0xb8;
	[tilespmem:$0x1B300] =	vst v63  }
0x5c: {  	s21 =	simm.s32 $0xA300  }
0x5d: {  	[tilespmem:s21], [sflag:$0x1] =	stream.indirect_vreg.gather [hbm4b:s7+s4], $0x80, v16, vm0, $0xb8;
	[tilespmem:$0x1B300] =	vst v63  }
0x5e: {  	s22 =	simm.s32 $0xAB00  }
0x5f: {  	[tilespmem:s22], [sflag:$0x1] =	stream.indirect_vreg.gather [hbm4b:s1+s4], $0x80, v15, vm0, $0xb8;
	[tilespmem:$0x1B300] =	vst v63  }
0x60: {  	s23 =	simm.s32 $0xB300  }
0x61: {  	[tilespmem:s23], [sflag:$0x1] =	stream.indirect_vreg.gather [hbm4b:s6+s4], $0x80, v15, vm0, $0xb8;
	[tilespmem:$0x1B300] =	vst v63  }
0x62: {  	s24 =	simm.s32 $0xBB00  }
0x63: {  	[tilespmem:s24], [sflag:$0x1] =	stream.indirect_vreg.gather [hbm4b:s7+s4], $0x80, v15, vm0, $0xb8;
	[tilespmem:$0x1B300] =	vst v63  }
0x64: {  	v15 =	vld [tilespmem:$0x2C0];
	_ =	sdelay $0x4  }
0x65: {  	v60 =	vshrl.u32 v15, $0x3  }
0x66: {  	v16 =	vmul.u32 $0x30, v60  }
0x67: {  	v15 =	vand.u32 $0x7, v15  }
0x68: {  	v15 =	vor.u32 v15, v16  }
0x69: {  	v16 =	vperm.xlane v15, v4;
	_ =	sdelay $0x1  }
0x6a: {  	v16 =	vadd.s32 v6, v16;
	_ =	sdelay $0x3  }
0x6b: {  	v15 =	vperm.xlane v15, v5  }
0x6c: {  	[tilespmem:s29], [sflag:$0x2] =	stream.indirect_vreg.gather [hbm4b:s1+s4], $0x80, v16, vm0, $0xb8;
	[tilespmem:$0x1B300] =	vst v63  }
0x6d: {  	s10 =	simm.s32 $0xCB00;
	v15 =	vadd.s32 v6, v15  }
0x6e: {  	[tilespmem:s10], [sflag:$0x2] =	stream.indirect_vreg.gather [hbm4b:s6+s4], $0x80, v16, vm0, $0xb8;
	[tilespmem:$0x1B300] =	vst v63  }
0x6f: {  	s11 =	simm.s32 $0xD300  }
0x70: {  	[tilespmem:s11], [sflag:$0x2] =	stream.indirect_vreg.gather [hbm4b:s7+s4], $0x80, v16, vm0, $0xb8;
	[tilespmem:$0x1B300] =	vst v63  }
0x71: {  	s12 =	simm.s32 $0xDB00  }
0x72: {  	[tilespmem:s12], [sflag:$0x2] =	stream.indirect_vreg.gather [hbm4b:s1+s4], $0x80, v15, vm0, $0xb8;
	[tilespmem:$0x1B300] =	vst v63  }
0x73: {  	s19 =	simm.s32 $0xE300  }
0x74: {  	[tilespmem:s19], [sflag:$0x2] =	stream.indirect_vreg.gather [hbm4b:s6+s4], $0x80, v15, vm0, $0xb8;
	[tilespmem:$0x1B300] =	vst v63  }
0x75: {  	s20 =	simm.s32 $0xEB00  }
0x76: {  	[tilespmem:s20], [sflag:$0x2] =	stream.indirect_vreg.gather [hbm4b:s7+s4], $0x80, v15, vm0, $0xb8;
	[tilespmem:$0x1B300] =	vst v63  }
0x77: {  	v15 =	vld [tilespmem:$0x2D0];
	_ =	sdelay $0x4  }
0x78: {  	v61 =	vshrl.u32 v15, $0x3  }
0x79: {  	v16 =	vmul.u32 $0x30, v61  }
0x7a: {  	v15 =	vand.u32 $0x7, v15  }
0x7b: {  	v15 =	vor.u32 v15, v16  }
0x7c: {  	v16 =	vperm.xlane v15, v4;
	_ =	sdelay $0x1  }
0x7d: {  	v16 =	vadd.s32 v6, v16;
	_ =	sdelay $0x3  }
0x7e: {  	s21 =	simm.s32 $0xF300;
	v15 =	vperm.xlane v15, v5  }
0x7f: {  	[tilespmem:s21], [sflag:$0x2] =	stream.indirect_vreg.gather [hbm4b:s1+s4], $0x80, v16, vm0, $0xb8;
	[tilespmem:$0x1B300] =	vst v63  }
0x80: {  	s22 =	simm.s32 $0xFB00;
	v15 =	vadd.s32 v6, v15  }
0x81: {  	[tilespmem:s22], [sflag:$0x2] =	stream.indirect_vreg.gather [hbm4b:s6+s4], $0x80, v16, vm0, $0xb8;
	[tilespmem:$0x1B300] =	vst v63  }
0x82: {  	s23 =	simm.s32 $0x10300  }
0x83: {  	[tilespmem:s23], [sflag:$0x2] =	stream.indirect_vreg.gather [hbm4b:s7+s4], $0x80, v16, vm0, $0xb8;
	[tilespmem:$0x1B300] =	vst v63  }
0x84: {  	s24 =	simm.s32 $0x10B00  }
0x85: {  	[tilespmem:s24], [sflag:$0x2] =	stream.indirect_vreg.gather [hbm4b:s1+s4], $0x80, v15, vm0, $0xb8;
	[tilespmem:$0x1B300] =	vst v63  }
0x86: {  	s10 =	simm.s32 $0x11300  }
0x87: {  	[tilespmem:s10], [sflag:$0x2] =	stream.indirect_vreg.gather [hbm4b:s6+s4], $0x80, v15, vm0, $0xb8;
	[tilespmem:$0x1B300] =	vst v63  }
0x88: {  	s11 =	simm.s32 $0x11B00  }
0x89: {  	[tilespmem:s11], [sflag:$0x2] =	stream.indirect_vreg.gather [hbm4b:s7+s4], $0x80, v15, vm0, $0xb8;
	[tilespmem:$0x1B300] =	vst v63  }
0x8a: {  	v15 =	vld [tilespmem:$0x2E0];
	_ =	sdelay $0x4  }
0x8b: {  	v62 =	vshrl.u32 v15, $0x3  }
0x8c: {  	v16 =	vmul.u32 $0x30, v62  }
0x8d: {  	v15 =	vand.u32 $0x7, v15  }
0x8e: {  	v15 =	vor.u32 v15, v16  }
0x8f: {  	v16 =	vperm.xlane v15, v4;
	_ =	sdelay $0x1  }
0x90: {  	v16 =	vadd.s32 v6, v16;
	_ =	sdelay $0x3  }
0x91: {  	s12 =	simm.s32 $0x12300;
	v15 =	vperm.xlane v15, v5  }
0x92: {  	[tilespmem:s12], [sflag:$0x2] =	stream.indirect_vreg.gather [hbm4b:s1+s4], $0x80, v16, vm0, $0xb8;
	[tilespmem:$0x1B300] =	vst v63  }
0x93: {  	s19 =	simm.s32 $0x12B00;
	v15 =	vadd.s32 v6, v15  }
0x94: {  	[tilespmem:s19], [sflag:$0x2] =	stream.indirect_vreg.gather [hbm4b:s6+s4], $0x80, v16, vm0, $0xb8;
	[tilespmem:$0x1B300] =	vst v63  }
0x95: {  	s20 =	simm.s32 $0x13300  }
0x96: {  	[tilespmem:s20], [sflag:$0x2] =	stream.indirect_vreg.gather [hbm4b:s7+s4], $0x80, v16, vm0, $0xb8;
	[tilespmem:$0x1B300] =	vst v63  }
0x97: {  	s21 =	simm.s32 $0x13B00  }
0x98: {  	[tilespmem:s21], [sflag:$0x2] =	stream.indirect_vreg.gather [hbm4b:s1+s4], $0x80, v15, vm0, $0xb8;
	[tilespmem:$0x1B300] =	vst v63  }
0x99: {  	s22 =	simm.s32 $0x14300  }
0x9a: {  	[tilespmem:s22], [sflag:$0x2] =	stream.indirect_vreg.gather [hbm4b:s6+s4], $0x80, v15, vm0, $0xb8;
	[tilespmem:$0x1B300] =	vst v63  }
0x9b: {  	s23 =	simm.s32 $0x14B00  }
0x9c: {  	[tilespmem:s23], [sflag:$0x2] =	stream.indirect_vreg.gather [hbm4b:s7+s4], $0x80, v15, vm0, $0xb8;
	[tilespmem:$0x1B300] =	vst v63  }
0x9d: {  	v15 =	vld [tilespmem:$0x2F0];
	_ =	sdelay $0x4  }
0x9e: {  	v63 =	vshrl.u32 v15, $0x3  }
0x9f: {  	v16 =	vmul.u32 $0x30, v63  }
0xa0: {  	v15 =	vand.u32 $0x7, v15  }
0xa1: {  	v15 =	vor.u32 v15, v16  }
0xa2: {  	v16 =	vperm.xlane v15, v4;
	_ =	sdelay $0x1  }
0xa3: {  	v16 =	vadd.s32 v6, v16;
	_ =	sdelay $0x3  }
0xa4: {  	s24 =	simm.s32 $0x15300;
	v15 =	vperm.xlane v15, v5  }
0xa5: {  	[tilespmem:s24], [sflag:$0x2] =	stream.indirect_vreg.gather [hbm4b:s1+s4], $0x80, v16, vm0, $0xb8;
	[tilespmem:$0x1B300] =	vst v63  }
0xa6: {  	s10 =	simm.s32 $0x15B00;
	v15 =	vadd.s32 v6, v15  }
0xa7: {  	[tilespmem:s10], [sflag:$0x2] =	stream.indirect_vreg.gather [hbm4b:s6+s4], $0x80, v16, vm0, $0xb8;
	[tilespmem:$0x1B300] =	vst v63  }
0xa8: {  	s11 =	simm.s32 $0x16300  }
0xa9: {  	[tilespmem:s11], [sflag:$0x2] =	stream.indirect_vreg.gather [hbm4b:s7+s4], $0x80, v16, vm0, $0xb8;
	[tilespmem:$0x1B300] =	vst v63  }
0xaa: {  	s12 =	simm.s32 $0x16B00  }
0xab: {  	[tilespmem:s12], [sflag:$0x2] =	stream.indirect_vreg.gather [hbm4b:s1+s4], $0x80, v15, vm0, $0xb8;
	[tilespmem:$0x1B300] =	vst v63  }
0xac: {  	s19 =	simm.s32 $0x17300  }
0xad: {  	[tilespmem:s19], [sflag:$0x2] =	stream.indirect_vreg.gather [hbm4b:s6+s4], $0x80, v15, vm0, $0xb8;
	[tilespmem:$0x1B300] =	vst v63  }
0xae: {  	s20 =	simm.s32 $0x17B00  }
0xaf: {  	[tilespmem:s20], [sflag:$0x2] =	stream.indirect_vreg.gather [hbm4b:s7+s4], $0x80, v15, vm0, $0xb8;
	[tilespmem:$0x1B300] =	vst v63  }
0xb0: {  	s21 =	rddreg [dreg:$0x4]  }
0xb1: {  	[tilespmem:s4], [sflag:$0x4] =	stream.linear.gather [hbm4b:s21+s4], $0x200, $0x38;
	[tilespmem:$0x1B300] =	vst v63  }
0xb2: {  	_ =	swait.ge [sflag:s25], $0x200  }
0xb3: {  	[sflag:s25] =	ssyncset.done $0x0  }
0xb4: {  	[sflag:s25] =	ssyncadd.s32 $0xFFFFFE00  }
0xb5: {  	_ =	swait.ge [sflag:s26], $0xC000  }
0xb6: {  	[sflag:s26] =	ssyncset.done $0x0  }
0xb7: {  	[sflag:s26] =	ssyncadd.s32 $0xFFFF4000  }
0xb8: {  	[hbm4b:s9+s4] =	stream.linear.scatter [tilespmem:s18], [sflag:$0x3], $0xC000, $0x38;
	[tilespmem:$0x1B300] =	vst v63  }
0xb9: {  	s22 =	rddreg [dreg:$0x5]  }
0xba: {  	[hbm4b:s22+s4] =	stream.linear.scatter [tilespmem:s18], [sflag:$0x3], $0xC000, $0x38;
	[tilespmem:$0x1B300] =	vst v63  }
0xbb: {  	s23 =	rddreg [dreg:$0x6]  }
0xbc: {  	[hbm4b:s23+s4] =	stream.linear.scatter [tilespmem:s18], [sflag:$0x3], $0xC000, $0x38;
	[tilespmem:$0x1B300] =	vst v63  }
0xbd: {  	s24 =	rddreg [dreg:$0x7]  }
0xbe: {  	[hbm4b:s24+s4] =	stream.linear.scatter [tilespmem:s18], [sflag:$0x3], $0xC000, $0x38;
	[tilespmem:$0x1B300] =	vst v63  }
0xbf: {  	_ =	swait.ge [sflag:s28], $0xC000  }
0xc0: {  	[sflag:s28] =	ssyncset.done $0x0  }
0xc1: {  	[sflag:s28] =	ssyncadd.s32 $0xFFFF4000  }
0xc2: {  	[hbm4b:s13+s4] =	stream.linear.scatter [tilespmem:s29], [sflag:$0x3], $0xC000, $0x38;
	[tilespmem:$0x1B300] =	vst v63  }
0xc3: {  	_ = 	snop  }
0xc4: {  	[hbm4b:s14+s4] =	stream.linear.scatter [tilespmem:s29], [sflag:$0x3], $0xC000, $0x38;
	[tilespmem:$0x1B300] =	vst v63  }
0xc5: {  	_ = 	snop  }
0xc6: {  	[hbm4b:s15+s4] =	stream.linear.scatter [tilespmem:s29], [sflag:$0x3], $0xC000, $0x38;
	[tilespmem:$0x1B300] =	vst v63  }
0xc7: {  	_ = 	snop  }
0xc8: {  	[hbm4b:s16+s4] =	stream.linear.scatter [tilespmem:s29], [sflag:$0x3], $0xC000, $0x38;
	[tilespmem:$0x1B300] =	vst v63  }
0xc9: {  	_ =	swait.ge [sflag:s30], $0xC000  }
0xca: {  	[sflag:s30] =	ssyncset.done $0x0  }
0xcb: {  	[sflag:s30] =	ssyncadd.s32 $0xFFFF4000  }
0xcc: {  	_ =	swait.ge [sflag:s30], $0xC000  }
0xcd: {  	[sflag:s30] =	ssyncset.done $0x0  }
0xce: {  	[sflag:s30] =	ssyncadd.s32 $0xFFFF4000  }
0xcf: {  	_ =	swait.ge [sflag:s30], $0xC000  }
0xd0: {  	[sflag:s30] =	ssyncset.done $0x0  }
0xd1: {  	[sflag:s30] =	ssyncadd.s32 $0xFFFF4000  }
0xd2: {  	_ =	swait.ge [sflag:s30], $0xC000  }
0xd3: {  	[sflag:s30] =	ssyncset.done $0x0  }
0xd4: {  	[sflag:s30] =	ssyncadd.s32 $0xFFFF4000  }
0xd5: {  	_ =	swait.ge [sflag:s30], $0xC000  }
0xd6: {  	[sflag:s30] =	ssyncset.done $0x0  }
0xd7: {  	[sflag:s30] =	ssyncadd.s32 $0xFFFF4000  }
0xd8: {  	_ =	swait.ge [sflag:s30], $0xC000  }
0xd9: {  	[sflag:s30] =	ssyncset.done $0x0  }
0xda: {  	[sflag:s30] =	ssyncadd.s32 $0xFFFF4000  }
0xdb: {  	_ =	swait.ge [sflag:s30], $0xC000  }
.Ltmp2:
0xdc: {  	[sflag:s30] =	ssyncset.done $0x0;
	(pc) =	sbr.rel .LBB2_2-.Ltmp2, $4  }
0xdd: {  	[sflag:s30] =	ssyncadd.s32 $0xFFFF4000  }
0xde: {  	_ =	swait.ge [sflag:s30], $0xC000  }
0xdf: {  	[sflag:s30] =	ssyncset.done $0x0  }
0xe0: {  	s19 =	simm.s32 $0x0;
	[sflag:s30] =	ssyncadd.s32 $0xFFFF4000  }
.LBB2_8:
0xe1: {  	s19 =	sadd.s32 $0x1, s19  }
0xe2: {  	p0 =	sne.s32 s19, $0x4  }
.Ltmp3:
0xe3: {  	_ = 	snop;
	(pc) =	sbr.rel @!p0 .LBB2_9-.Ltmp3, $1  }
0xe4: {  	_ =	sdelay $0x3  }
.LBB2_2:
.Ltmp4:
0xe5: {  	(pc) =	sbr.rel .LBB2_3-.Ltmp4, $4  }
0xe6: {  	_ = 	snop  }
0xe7: {  	s8 =	sshll.u32 s19, $0x7  }
0xe8: {  	s8 =	sand.u32 $0x3FFFFF80, s8  }
0xe9: {  	s20 =	smul.u32 $0x300000, s19;
	s21 =	simm.s32 $0x0;
	s22 =	simm.s32 $0x0;
	v15 =	vmov s8  }
.LBB2_7:
0xea: {  	s22 =	sadd.s32 $0x1, s22  }
0xeb: {  	p0 =	sne.s32 s22, $0x8  }
.Ltmp5:
0xec: {  	_ = 	snop;
	(pc) =	sbr.rel @!p0 .LBB2_8-.Ltmp5, $2  }
0xed: {  	_ =	sdelay $0x2  }
0xee: {  	s21 =	sadd.s32 $0x10, s21  }
.LBB2_3:
0xef: {  	_ =	sdelay $0x2  }
0xf0: {  	s23 =	sshll.u32 s22, $0x4  }
0xf1: {  	v16 =	vld.idx.msk [tilespmem:v15+s23+$0x0 ss:$0x1], $0xffff;
	_ =	sdelay $0x4  }
0xf2: {  	vm1 =	veq.s32 v16, $0x0  }
0xf3: {  	v16 =	vsel vm1, $0x1, v13  }
0xf4: {  	(xrf0) =	vadd.scan.msk.s32 $0xffff, v16;
	_ =	sdelay $0x5  }
0xf5: {  	v16, _, _ =	vpop (xrf0)  }
0xf6: {  	(v2sf) =	vpush v16, $0xF;
	_ =	sdelay $0xe  }
0xf7: {  	s8 =	spop (v2sf)  }
0xf8: {  	p0 =	slt.s32 s8, $0x1  }
.Ltmp6:
0xf9: {  	_ = 	snop;
	(pc) =	sbr.rel @p0 .LBB2_7-.Ltmp6, $1  }
0xfa: {  	_ =	sdelay $0x3  }
0xfb: {  	v16 =	vsel vm1, $0x0, v14  }
0xfc: {  	s24 =	simm.s32 $0x0;
	s8 =	simm.s32 $0x0;
	[tilespmem:$0x200] =	vst v16  }
.LBB2_5:
0xfd: {  	v16 =	vmov s8;
	s10 =	sadd.s32 s8, s21  }
0xfe: {  	s10 =	sshrl.u32 s10, $0x3  }
0xff: {  	s10 =	smul.u32 $0x6000, s10;
	_ =	sdelay $0x1  }
0x100: {  	s11 =	sand.u32 $0x380, s24;
	s10 =	sshra.s32 s10, $0x2  }
0x101: {  	v16 =	vld.idx.msk [tilespmem:v16+s31+$0x0], $0xffff;
	s10 =	sor.u32 s11, s10  }
0x102: {  	v17 =	vld [tilespmem:s10+$0x300];
	_ =	sdelay $0x1  }
0x103: {  	s12 =	sshrl.u32 s8, $0x3  }
0x104: {  	s12 =	smul.u32 $0x6000, s12;
	_ =	sdelay $0x1  }
0x105: {  	s12 =	sshra.s32 s12, $0x2;
	v17 =	vmul.f32 v17, v16  }
0x106: {  	s11 =	sor.u32 s11, s12  }
0x107: {  	[tilespmem:s11+$0x18300] =	vst v17  }
0x108: {  	v17 =	vld [tilespmem:s10+$0x310];
	_ =	sdelay $0x4  }
0x109: {  	v17 =	vmul.f32 v17, v16  }
0x10a: {  	s12 =	sadd.s32 $0x18300, s11  }
0x10b: {  	[tilespmem:s12+$0x10] =	vst v17  }
0x10c: {  	v17 =	vld [tilespmem:s10+$0x320];
	_ =	sdelay $0x4  }
0x10d: {  	v17 =	vmul.f32 v17, v16;
	_ =	sdelay $0x1  }
0x10e: {  	[tilespmem:s12+$0x20] =	vst v17  }
0x10f: {  	v17 =	vld [tilespmem:s10+$0x330];
	_ =	sdelay $0x4  }
0x110: {  	v17 =	vmul.f32 v17, v16;
	_ =	sdelay $0x1  }
0x111: {  	[tilespmem:s12+$0x30] =	vst v17  }
0x112: {  	v17 =	vld [tilespmem:s10+$0x340];
	_ =	sdelay $0x4  }
0x113: {  	v17 =	vmul.f32 v17, v16;
	_ =	sdelay $0x1  }
0x114: {  	[tilespmem:s12+$0x40] =	vst v17  }
0x115: {  	v17 =	vld [tilespmem:s10+$0x350];
	_ =	sdelay $0x4  }
0x116: {  	v17 =	vmul.f32 v17, v16;
	_ =	sdelay $0x1  }
0x117: {  	[tilespmem:s12+$0x50] =	vst v17  }
0x118: {  	v17 =	vld [tilespmem:s10+$0x360];
	_ =	sdelay $0x4  }
0x119: {  	v17 =	vmul.f32 v17, v16;
	_ =	sdelay $0x1  }
0x11a: {  	[tilespmem:s12+$0x60] =	vst v17  }
0x11b: {  	v17 =	vld [tilespmem:s10+$0x370];
	_ =	sdelay $0x4  }
0x11c: {  	v17 =	vmul.f32 v17, v16;
	_ =	sdelay $0x1  }
0x11d: {  	[tilespmem:s12+$0x70] =	vst v17  }
0x11e: {  	v17 =	vld [tilespmem:s10+$0x700];
	_ =	sdelay $0x4  }
0x11f: {  	v17 =	vmul.f32 v17, v16;
	_ =	sdelay $0x1  }
0x120: {  	[tilespmem:s12+$0x400] =	vst v17  }
0x121: {  	v17 =	vld [tilespmem:s10+$0x710];
	_ =	sdelay $0x4  }
0x122: {  	v17 =	vmul.f32 v17, v16;
	_ =	sdelay $0x1  }
0x123: {  	[tilespmem:s12+$0x410] =	vst v17  }
0x124: {  	v17 =	vld [tilespmem:s10+$0x720];
	_ =	sdelay $0x4  }
0x125: {  	v17 =	vmul.f32 v17, v16;
	_ =	sdelay $0x1  }
0x126: {  	[tilespmem:s12+$0x420] =	vst v17  }
0x127: {  	v17 =	vld [tilespmem:s10+$0x730];
	_ =	sdelay $0x4  }
0x128: {  	v17 =	vmul.f32 v17, v16;
	_ =	sdelay $0x1  }
0x129: {  	[tilespmem:s12+$0x430] =	vst v17  }
0x12a: {  	v17 =	vld [tilespmem:s10+$0x740];
	_ =	sdelay $0x4  }
0x12b: {  	v17 =	vmul.f32 v17, v16;
	_ =	sdelay $0x1  }
0x12c: {  	[tilespmem:s12+$0x440] =	vst v17  }
0x12d: {  	v17 =	vld [tilespmem:s10+$0x750];
	_ =	sdelay $0x4  }
0x12e: {  	v17 =	vmul.f32 v17, v16;
	_ =	sdelay $0x1  }
0x12f: {  	[tilespmem:s12+$0x450] =	vst v17  }
0x130: {  	v17 =	vld [tilespmem:s10+$0x760];
	_ =	sdelay $0x4  }
0x131: {  	v17 =	vmul.f32 v17, v16;
	_ =	sdelay $0x1  }
0x132: {  	[tilespmem:s12+$0x460] =	vst v17  }
0x133: {  	v17 =	vld [tilespmem:s10+$0x770];
	_ =	sdelay $0x4  }
0x134: {  	v17 =	vmul.f32 v17, v16;
	_ =	sdelay $0x1  }
0x135: {  	[tilespmem:s12+$0x470] =	vst v17  }
0x136: {  	v17 =	vld [tilespmem:s10+$0xB00];
	_ =	sdelay $0x4  }
0x137: {  	v17 =	vmul.f32 v17, v16;
	_ =	sdelay $0x1  }
0x138: {  	[tilespmem:s11+$0x18B00] =	vst v17  }
0x139: {  	v17 =	vld [tilespmem:s10+$0xB10];
	_ =	sdelay $0x4  }
0x13a: {  	v17 =	vmul.f32 v17, v16  }
0x13b: {  	s12 =	sadd.s32 $0x18B00, s11  }
0x13c: {  	[tilespmem:s12+$0x10] =	vst v17  }
0x13d: {  	v17 =	vld [tilespmem:s10+$0xB20];
	_ =	sdelay $0x4  }
0x13e: {  	v17 =	vmul.f32 v17, v16;
	_ =	sdelay $0x1  }
0x13f: {  	[tilespmem:s12+$0x20] =	vst v17  }
0x140: {  	v17 =	vld [tilespmem:s10+$0xB30];
	_ =	sdelay $0x4  }
0x141: {  	v17 =	vmul.f32 v17, v16;
	_ =	sdelay $0x1  }
0x142: {  	[tilespmem:s12+$0x30] =	vst v17  }
0x143: {  	v17 =	vld [tilespmem:s10+$0xB40];
	_ =	sdelay $0x4  }
0x144: {  	v17 =	vmul.f32 v17, v16;
	_ =	sdelay $0x1  }
0x145: {  	[tilespmem:s12+$0x40] =	vst v17  }
0x146: {  	v17 =	vld [tilespmem:s10+$0xB50];
	_ =	sdelay $0x4  }
0x147: {  	v17 =	vmul.f32 v17, v16;
	_ =	sdelay $0x1  }
0x148: {  	[tilespmem:s12+$0x50] =	vst v17  }
0x149: {  	v17 =	vld [tilespmem:s10+$0xB60];
	_ =	sdelay $0x4  }
0x14a: {  	v17 =	vmul.f32 v17, v16;
	_ =	sdelay $0x1  }
0x14b: {  	[tilespmem:s12+$0x60] =	vst v17  }
0x14c: {  	v17 =	vld [tilespmem:s10+$0xB70];
	_ =	sdelay $0x4  }
0x14d: {  	v17 =	vmul.f32 v17, v16;
	_ =	sdelay $0x1  }
0x14e: {  	[tilespmem:s12+$0x70] =	vst v17  }
0x14f: {  	v17 =	vld [tilespmem:s10+$0xF00];
	_ =	sdelay $0x4  }
0x150: {  	v17 =	vmul.f32 v17, v16;
	_ =	sdelay $0x1  }
0x151: {  	[tilespmem:s11+$0x18F00] =	vst v17  }
0x152: {  	v17 =	vld [tilespmem:s10+$0xF10];
	_ =	sdelay $0x4  }
0x153: {  	v17 =	vmul.f32 v17, v16  }
0x154: {  	s12 =	sadd.s32 $0x18F00, s11  }
0x155: {  	[tilespmem:s12+$0x10] =	vst v17  }
0x156: {  	v17 =	vld [tilespmem:s10+$0xF20];
	_ =	sdelay $0x4  }
0x157: {  	v17 =	vmul.f32 v17, v16;
	_ =	sdelay $0x1  }
0x158: {  	[tilespmem:s12+$0x20] =	vst v17  }
0x159: {  	v17 =	vld [tilespmem:s10+$0xF30];
	_ =	sdelay $0x4  }
0x15a: {  	v17 =	vmul.f32 v17, v16;
	_ =	sdelay $0x1  }
0x15b: {  	[tilespmem:s12+$0x30] =	vst v17  }
0x15c: {  	v17 =	vld [tilespmem:s10+$0xF40];
	_ =	sdelay $0x4  }
0x15d: {  	v17 =	vmul.f32 v17, v16;
	_ =	sdelay $0x1  }
0x15e: {  	[tilespmem:s12+$0x40] =	vst v17  }
0x15f: {  	v17 =	vld [tilespmem:s10+$0xF50];
	_ =	sdelay $0x4  }
0x160: {  	v17 =	vmul.f32 v17, v16;
	_ =	sdelay $0x1  }
0x161: {  	[tilespmem:s12+$0x50] =	vst v17  }
0x162: {  	v17 =	vld [tilespmem:s10+$0xF60];
	_ =	sdelay $0x4  }
0x163: {  	v17 =	vmul.f32 v17, v16;
	_ =	sdelay $0x1  }
0x164: {  	[tilespmem:s12+$0x60] =	vst v17  }
0x165: {  	v17 =	vld [tilespmem:s10+$0xF70];
	_ =	sdelay $0x4  }
0x166: {  	v17 =	vmul.f32 v17, v16;
	_ =	sdelay $0x1  }
0x167: {  	[tilespmem:s12+$0x70] =	vst v17  }
0x168: {  	v17 =	vld [tilespmem:s10+$0x1300];
	_ =	sdelay $0x4  }
0x169: {  	v17 =	vmul.f32 v17, v16;
	_ =	sdelay $0x1  }
0x16a: {  	[tilespmem:s11+$0x19300] =	vst v17  }
0x16b: {  	v17 =	vld [tilespmem:s10+$0x1310];
	_ =	sdelay $0x4  }
0x16c: {  	v17 =	vmul.f32 v17, v16  }
0x16d: {  	s12 =	sadd.s32 $0x19300, s11  }
0x16e: {  	[tilespmem:s12+$0x10] =	vst v17  }
0x16f: {  	v17 =	vld [tilespmem:s10+$0x1320];
	_ =	sdelay $0x4  }
0x170: {  	v17 =	vmul.f32 v17, v16;
	_ =	sdelay $0x1  }
0x171: {  	[tilespmem:s12+$0x20] =	vst v17  }
0x172: {  	v17 =	vld [tilespmem:s10+$0x1330];
	_ =	sdelay $0x4  }
0x173: {  	v17 =	vmul.f32 v17, v16;
	_ =	sdelay $0x1  }
0x174: {  	[tilespmem:s12+$0x30] =	vst v17  }
0x175: {  	v17 =	vld [tilespmem:s10+$0x1340];
	_ =	sdelay $0x4  }
0x176: {  	v17 =	vmul.f32 v17, v16;
	_ =	sdelay $0x1  }
0x177: {  	[tilespmem:s12+$0x40] =	vst v17  }
0x178: {  	v17 =	vld [tilespmem:s10+$0x1350];
	_ =	sdelay $0x4  }
0x179: {  	v17 =	vmul.f32 v17, v16;
	_ =	sdelay $0x1  }
0x17a: {  	[tilespmem:s12+$0x50] =	vst v17  }
0x17b: {  	v17 =	vld [tilespmem:s10+$0x1360];
	_ =	sdelay $0x4  }
0x17c: {  	v17 =	vmul.f32 v17, v16;
	_ =	sdelay $0x1  }
0x17d: {  	[tilespmem:s12+$0x60] =	vst v17  }
0x17e: {  	v17 =	vld [tilespmem:s10+$0x1370];
	_ =	sdelay $0x4  }
0x17f: {  	v17 =	vmul.f32 v17, v16;
	_ =	sdelay $0x1  }
0x180: {  	[tilespmem:s12+$0x70] =	vst v17  }
0x181: {  	v17 =	vld [tilespmem:s10+$0x1700];
	_ =	sdelay $0x4  }
0x182: {  	v17 =	vmul.f32 v17, v16;
	_ =	sdelay $0x1  }
0x183: {  	[tilespmem:s11+$0x19700] =	vst v17  }
0x184: {  	v17 =	vld [tilespmem:s10+$0x1710];
	_ =	sdelay $0x4  }
0x185: {  	v17 =	vmul.f32 v17, v16  }
0x186: {  	s11 =	sadd.s32 $0x19700, s11  }
0x187: {  	[tilespmem:s11+$0x10] =	vst v17  }
0x188: {  	v17 =	vld [tilespmem:s10+$0x1720];
	_ =	sdelay $0x4  }
0x189: {  	v17 =	vmul.f32 v17, v16;
	_ =	sdelay $0x1  }
0x18a: {  	[tilespmem:s11+$0x20] =	vst v17  }
0x18b: {  	v17 =	vld [tilespmem:s10+$0x1730];
	_ =	sdelay $0x4  }
0x18c: {  	v17 =	vmul.f32 v17, v16;
	_ =	sdelay $0x1  }
0x18d: {  	[tilespmem:s11+$0x30] =	vst v17  }
0x18e: {  	v17 =	vld [tilespmem:s10+$0x1740];
	_ =	sdelay $0x4  }
0x18f: {  	v17 =	vmul.f32 v17, v16;
	_ =	sdelay $0x1  }
0x190: {  	[tilespmem:s11+$0x40] =	vst v17  }
0x191: {  	v17 =	vld [tilespmem:s10+$0x1750];
	_ =	sdelay $0x4  }
0x192: {  	v17 =	vmul.f32 v17, v16;
	_ =	sdelay $0x1  }
0x193: {  	[tilespmem:s11+$0x50] =	vst v17  }
0x194: {  	v17 =	vld [tilespmem:s10+$0x1760];
	_ =	sdelay $0x4  }
0x195: {  	v17 =	vmul.f32 v17, v16;
	_ =	sdelay $0x1  }
0x196: {  	[tilespmem:s11+$0x60] =	vst v17  }
0x197: {  	v17 =	vld [tilespmem:s10+$0x1770];
	_ =	sdelay $0x1  }
0x198: {  	p0 =	sne.s32 s8, $0xF  }
.Ltmp7:
0x199: {  	_ = 	snop;
	(pc) =	sbr.rel @p0 .LBB2_5-.Ltmp7, $3  }
0x19a: {  	_ = 	snop  }
0x19b: {  	v16 =	vmul.f32 v17, v16;
	_ =	sdelay $0x1  }
0x19c: {  	s24 =	sadd.s32 $0x80, s24;
	s8 =	sadd.s32 $0x1, s8;
	[tilespmem:s11+$0x70] =	vst v16  }
0x19d: {  	s8 =	sor.u32 s5, s23  }
0x19e: {  	s8 =	sshrl.u32 s8, $0x3  }
0x19f: {  	s8 =	smul.u32 $0x1800, s8;
	_ =	sdelay $0x1  }
0x1a0: {  	s8 =	sadd.s32 s20, s8  }
0x1a1: {  	s8 =	sshrl.u32 s8, $0x3  }
.Ltmp8:
0x1a2: {  	s8 =	sadd.s32 s3, s8;
	(pc) =	sbr.rel .LBB2_7-.Ltmp8, $4  }
0x1a3: {  	[hbm4b:s8+s4] =	stream.linear.scatter [tilespmem:s0], [sflag:$0x4], $0x3000, $0x38;
	[tilespmem:$0x1B300] =	vst v63  }
0x1a4: {  	_ =	swait.ge [sflag:s25], $0x3000  }
0x1a5: {  	[sflag:s25] =	ssyncset.done $0x0  }
0x1a6: {  	[sflag:s25] =	ssyncadd.s32 $0xFFFFD000  }
.LBB2_10:
0x1a7: {  	_ =	sfence.sel $0x180000  }
0x1a8: {  	[bflag:$0x0] =	sbarrier.arrive $0xFFFF  }
0x1a9: {  	_ =	strace $0x90000047  }
0x1aa: {  	s0 =	stileid.u32;
	[bflag:$0x2] =	sbarrier.arrive $0xFFFF  }
0x1ab: {  	p0 =	sne.s32 s0, $0x0;
	s0 =	rddreg [dreg:$0x3]  }
0x1ac: {  	s0 =	sadd.s32 @!p0 $0x100000, s0  }
0x1ad: {  	[sflag:s0] =	ssyncadd.tile.s32 @!p0 $0x1;
	_ =	shalt  }
.Lfunc_end2:
_tile_overlayer_lowered:
.L_overlay_start_2:
0x1ae: {  	(tag) =	ssettag $0x2  }
0x1af: {  	s0 =	rddreg [dreg:$0x0];
	s2 =	stileid.u32  }
0x1b0: {  	s1 =	rddreg [dreg:$0x1];
	p0 =	sne.s32 s2, $0x0  }
0x1b1: {  	s3 =	rddreg [dreg:$0x2];
	[bflag:$0x3] =	sbarrier.arrive $0xFFFF;
	s2 =	simm.s32 @!p0 $0x1C04  }
0x1b2: {  	[timem:s3], [sflag:s2] =	dma.local @!p0 [hbm:s0], s1  }
0x1b3: {  	s0 =	simm.s32 @!p0 $0x4  }
0x1b4: {  	_ =	swait.ge @!p0 [sflag:s0], s1  }
0x1b5: {  	s1 =	ssub.s32 @!p0 $0x0, s1;
	[sflag:s0] =	ssyncset.done @!p0 $0x0  }
0x1b6: {  	[sflag:s0] =	ssyncadd.s32 @!p0 s1  }
0x1b7: {  	[bflag:$0x3] =	sbarrier.arrive $0xFFFF  }
0x1b8: {  	_ =	shalt  }

</sc_bundles>
